<compile_context>
chip_gen: v7x
topology: tpu7x:2x2x1
jax: 0.10.2.dev20260603
libtpu: 0.0.44.dev20260713+nightly
codegen_flags: <defaults>
</compile_context>

<pallas_src>
import functools
import math

import jax
import jax.numpy as jnp
from jax import lax
from jax.experimental import pallas as pl
from jax.experimental.pallas import tpu as pltpu
from jax.experimental.pallas import tpu_sc as plsc

_EMBED = 128
_LANES = 16
_CHUNK = 128


def _make_pe_table(seq_len: int) -> jax.Array:
    position = jnp.arange(seq_len, dtype=jnp.float32)[:, None]
    div_term = jnp.exp(
        jnp.arange(0, _EMBED, 2, dtype=jnp.float32) * (-math.log(10000.0) / _EMBED)
    )
    ang = position * div_term
    pe = jnp.zeros((seq_len, _EMBED), dtype=jnp.float32)
    pe = pe.at[:, 0::2].set(jnp.sin(ang))
    pe = pe.at[:, 1::2].set(jnp.cos(ang))
    return pe


@functools.partial(jax.jit, static_argnames=("n_rows", "seq_len"))
def _gather_add_pe(table, idx2d, pe, *, n_rows, seq_len):
    info = plsc.get_sparse_core_info()
    nc, ns = info.num_cores, info.num_subcores
    nw = nc * ns
    rows_per_w = n_rows // nw
    n_chunks = rows_per_w // _CHUNK
    chunks_per_seq = seq_len // _CHUNK

    mesh = plsc.VectorSubcoreMesh(core_axis_name="c", subcore_axis_name="s")

    @functools.partial(
        pl.kernel,
        out_type=jax.ShapeDtypeStruct((n_rows, _EMBED), jnp.float32),
        mesh=mesh,
        scratch_types=[
            pltpu.VMEM((n_chunks, _CHUNK), jnp.int32),
            pltpu.VMEM((_CHUNK, _EMBED), jnp.float32),
            pltpu.VMEM((_CHUNK, _EMBED), jnp.float32),
            pltpu.SemaphoreType.DMA,
        ],
    )
    def body(table_hbm, idx_hbm, pe_hbm, out_hbm, idx_v, rows_v, pe_v, sem):
        wid = lax.axis_index("s") * nc + lax.axis_index("c")
        base_chunk = wid * n_chunks
        pltpu.sync_copy(idx_hbm.at[pl.ds(base_chunk, n_chunks)], idx_v)
        for j in range(n_chunks):
            chunk = base_chunk + j
            pos_chunk = lax.rem(chunk, chunks_per_seq)
            pltpu.async_copy(table_hbm.at[idx_v.at[j]], rows_v, sem).wait()
            pltpu.sync_copy(pe_hbm.at[pl.ds(pos_chunk * _CHUNK, _CHUNK)], pe_v)

            def add_row(i, _):
                for c in range(_EMBED // _LANES):
                    sl = pl.ds(c * _LANES, _LANES)
                    rows_v[i, sl] = rows_v[i, sl] + pe_v[i, sl]
                return 0

            lax.fori_loop(0, _CHUNK, add_row, 0)
            pltpu.sync_copy(rows_v, out_hbm.at[pl.ds(chunk * _CHUNK, _CHUNK)])

    return body(table, idx2d, pe)


def kernel(x, table):
    batch, seq = x.shape
    n_rows = batch * seq
    idx2d = x.reshape(n_rows // _CHUNK, _CHUNK)
    pe = _make_pe_table(seq)
    out = _gather_add_pe(table, idx2d, pe, n_rows=n_rows, seq_len=seq)
    return out.reshape(batch, seq, _EMBED)

# --- scband reference (transcript-rebuilt; emitter-appended) ---
"""Pipeline reference for scband-token-and-positional-embedding-83571473645574 (READ-ONLY COPY).

The authoritative reference and input builder live on the scoring server;
editing this copy changes nothing except your own understanding.
"""

import jax, jax.numpy as jnp
import numpy as np
import math

VOCAB = 1000000
EMBED = 128
MAX_LEN = 5000
BATCH = 4
SEQ = 4096


def _make_pe():
    position = jnp.arange(MAX_LEN, dtype=jnp.float32)[:, None]
    div_term = jnp.exp(jnp.arange(0, EMBED, 2, dtype=jnp.float32) * (-math.log(10000.0) / EMBED))
    ang = position * div_term
    pe = jnp.zeros((MAX_LEN, EMBED), dtype=jnp.float32)
    pe = pe.at[:, 0::2].set(jnp.sin(ang))
    pe = pe.at[:, 1::2].set(jnp.cos(ang))
    return pe


def setup_inputs(seed: int = 0) -> dict:
    key = jax.random.key(seed)
    k1, k2 = jax.random.split(key)
    x = jax.random.randint(k1, (BATCH, SEQ), 0, VOCAB, dtype=jnp.int32)
    # nn.Embedding default init: N(0, 1)
    table = jax.random.normal(k2, (VOCAB, EMBED), dtype=jnp.float32)
    return {"x": x, "table": table}


def reference(x, table):
    # token embedding: gather rows of the table
    token_embed = jnp.take(table, x, axis=0)  # (B, S, E)
    # absolute sinusoidal positional encoding (registered buffer in torch)
    pe = _make_pe()
    seq_len = x.shape[1]
    return token_embed + pe[:seq_len, :][None, :, :]

if __name__ == "__main__":
    import jax
    _d = setup_inputs()
    print(jax.jit(kernel)(*tuple(_d.values())))

</pallas_src>

<mosaic_0001>
#map = affine_map<(d0, d1) -> (0, 0)>
module attributes {stable_mosaic.version = 14 : i64} {
  func.func @body(%arg0: i32, %arg1: i32, %arg2: memref<1000000x128xf32, #tpu.memory_space<hbm>>, %arg3: memref<128x128xi32, #tpu.memory_space<hbm>>, %arg4: memref<4096x128xf32, #tpu.memory_space<hbm>>, %arg5: memref<16384x128xf32, #tpu.memory_space<hbm>>, %arg6: memref<4x128xi32, #tpu.memory_space<vmem>>, %arg7: memref<128x128xf32, #tpu.memory_space<vmem>>, %arg8: memref<128x128xf32, #tpu.memory_space<vmem>>, %arg9: memref<!tpu.dma_semaphore, #tpu.memory_space<semaphore_mem>>) attributes {dimension_semantics = [#tpu.dimension_semantics<core_parallel>, #tpu.dimension_semantics<subcore_parallel>], iteration_bounds = array<i64: 2, 16>, scalar_prefetch = 0 : i64, scratch_operands = 4 : i64, tpu.core_type = #tpu.core_type<sc_vector_subcore>, window_params = [{transform_indices = #map}, {transform_indices = #map}, {transform_indices = #map}, {transform_indices = #map}]} {
    %mul3A = arith.constant 2 : i32
    %mul3A_0 = arith.muli %arg1, %mul3A : i32
    %add3A = arith.addi %mul3A_0, %arg0 : i32
    %mul3A_1 = arith.constant 4 : i32
    %mul3A_2 = arith.muli %add3A, %mul3A_1 : i32
    "tpu.region"() ({
      %run_scoped3A = tpu.sem_alloc : memref<!tpu.dma_semaphore, #tpu.memory_space<semaphore_mem>>
      %dma_start3A_115 = arith.constant 0 : i32
      %dma_start3A_116 = tpu.memref_slice %arg3[%mul3A_2, %dma_start3A_115] : memref<128x128xi32, #tpu.memory_space<hbm>> -> memref<4x128xi32, #tpu.memory_space<hbm>>
      %dma_start3A_117 = arith.constant 0 : i32
      %dma_start3A_118 = tpu.memref_slice %arg3[%mul3A_2, %dma_start3A_117] : memref<128x128xi32, #tpu.memory_space<hbm>> -> memref<4x128xi32, #tpu.memory_space<hbm>>
      tpu.enqueue_dma source(%dma_start3A_118 : memref<4x128xi32, #tpu.memory_space<hbm>>) target(%arg6 : memref<4x128xi32, #tpu.memory_space<vmem>>) target_semaphore(%run_scoped3A : memref<!tpu.dma_semaphore, #tpu.memory_space<semaphore_mem>>)
      %dma_wait3A_119 = arith.constant 0 : i32
      %dma_wait3A_120 = tpu.memref_slice %arg3[%mul3A_2, %dma_wait3A_119] : memref<128x128xi32, #tpu.memory_space<hbm>> -> memref<4x128xi32, #tpu.memory_space<hbm>>
      %dma_wait3A_121 = arith.constant 0 : i32
      %dma_wait3A_122 = tpu.memref_slice %arg3[%mul3A_2, %dma_wait3A_121] : memref<128x128xi32, #tpu.memory_space<hbm>> -> memref<4x128xi32, #tpu.memory_space<hbm>>
      tpu.wait_dma2 semaphore(%run_scoped3A : memref<!tpu.dma_semaphore, #tpu.memory_space<semaphore_mem>>) src(%dma_wait3A_122 : memref<4x128xi32, #tpu.memory_space<hbm>>) dst(%arg6 : memref<4x128xi32, #tpu.memory_space<vmem>>)
      tpu.yield
    }) : () -> ()
    %add3A_3 = arith.constant 0 : i32
    %add3A_4 = arith.addi %mul3A_2, %add3A_3 : i32
    %rem3A = arith.constant 32 : i32
    %rem3A_5 = arith.remsi %add3A_4, %rem3A : i32
    %dma_start3A = arith.constant 0 : i32
    %dma_start3A_6 = arith.constant 0 : i32
    %dma_start3A_7 = tpu.memref_slice %arg6[%dma_start3A, %dma_start3A_6] : memref<4x128xi32, #tpu.memory_space<vmem>> -> memref<1x128xi32, #tpu.memory_space<vmem>>
    %dma_start3A_8 = tpu.memref_squeeze %dma_start3A_7 : memref<1x128xi32, #tpu.memory_space<vmem>> -> memref<128xi32, #tpu.memory_space<vmem>>
    %dma_start3A_9 = arith.constant 0 : i32
    %dma_start3A_10 = arith.constant 0 : i32
    %dma_start3A_11 = tpu.memref_slice %arg2[%dma_start3A_9, %dma_start3A_10] : memref<1000000x128xf32, #tpu.memory_space<hbm>> -> memref<1000000x128xf32, #tpu.memory_space<hbm>>
    tpu.enqueue_indirect_dma source(%dma_start3A_11 : memref<1000000x128xf32, #tpu.memory_space<hbm>>) target(%arg7 : memref<128x128xf32, #tpu.memory_space<vmem>>) offsets(%dma_start3A_8 : memref<128xi32, #tpu.memory_space<vmem>>) semaphore(%arg9 : memref<!tpu.dma_semaphore, #tpu.memory_space<semaphore_mem>>)
    %dma_wait3A = arith.constant 0 : i32
    %dma_wait3A_12 = arith.constant 0 : i32
    %dma_wait3A_13 = tpu.memref_slice %arg6[%dma_wait3A, %dma_wait3A_12] : memref<4x128xi32, #tpu.memory_space<vmem>> -> memref<1x128xi32, #tpu.memory_space<vmem>>
    %dma_wait3A_14 = tpu.memref_squeeze %dma_wait3A_13 : memref<1x128xi32, #tpu.memory_space<vmem>> -> memref<128xi32, #tpu.memory_space<vmem>>
    %dma_wait3A_15 = arith.constant 0 : i32
    %dma_wait3A_16 = arith.constant 0 : i32
    %dma_wait3A_17 = tpu.memref_slice %arg2[%dma_wait3A_15, %dma_wait3A_16] : memref<1000000x128xf32, #tpu.memory_space<hbm>> -> memref<1000000x128xf32, #tpu.memory_space<hbm>>
    tpu.wait_indirect_dma semaphore(%arg9 : memref<!tpu.dma_semaphore, #tpu.memory_space<semaphore_mem>>) src(%dma_wait3A_17 : memref<1000000x128xf32, #tpu.memory_space<hbm>>) dst(%arg7 : memref<128x128xf32, #tpu.memory_space<vmem>>)
    %mul3A_18 = arith.constant 128 : i32
    %mul3A_19 = arith.muli %rem3A_5, %mul3A_18 : i32
    "tpu.region"() ({
      %run_scoped3A = tpu.sem_alloc : memref<!tpu.dma_semaphore, #tpu.memory_space<semaphore_mem>>
      %dma_start3A_115 = arith.constant 0 : i32
      %dma_start3A_116 = tpu.memref_slice %arg4[%mul3A_19, %dma_start3A_115] : memref<4096x128xf32, #tpu.memory_space<hbm>> -> memref<128x128xf32, #tpu.memory_space<hbm>>
      %dma_start3A_117 = arith.constant 0 : i32
      %dma_start3A_118 = tpu.memref_slice %arg4[%mul3A_19, %dma_start3A_117] : memref<4096x128xf32, #tpu.memory_space<hbm>> -> memref<128x128xf32, #tpu.memory_space<hbm>>
      tpu.enqueue_dma source(%dma_start3A_118 : memref<128x128xf32, #tpu.memory_space<hbm>>) target(%arg8 : memref<128x128xf32, #tpu.memory_space<vmem>>) target_semaphore(%run_scoped3A : memref<!tpu.dma_semaphore, #tpu.memory_space<semaphore_mem>>)
      %dma_wait3A_119 = arith.constant 0 : i32
      %dma_wait3A_120 = tpu.memref_slice %arg4[%mul3A_19, %dma_wait3A_119] : memref<4096x128xf32, #tpu.memory_space<hbm>> -> memref<128x128xf32, #tpu.memory_space<hbm>>
      %dma_wait3A_121 = arith.constant 0 : i32
      %dma_wait3A_122 = tpu.memref_slice %arg4[%mul3A_19, %dma_wait3A_121] : memref<4096x128xf32, #tpu.memory_space<hbm>> -> memref<128x128xf32, #tpu.memory_space<hbm>>
      tpu.wait_dma2 semaphore(%run_scoped3A : memref<!tpu.dma_semaphore, #tpu.memory_space<semaphore_mem>>) src(%dma_wait3A_122 : memref<128x128xf32, #tpu.memory_space<hbm>>) dst(%arg8 : memref<128x128xf32, #tpu.memory_space<vmem>>)
      tpu.yield
    }) : () -> ()
    %scan3A = arith.constant 0 : i32
    %scan3A_20 = arith.constant 0 : i32
    %scan3A_21 = arith.constant 128 : i32
    %scan3A_22 = arith.addi %scan3A_20, %scan3A_21 : i32
    %scan3A_23 = arith.constant 1 : i32
    %scan3A_24 = scf.for %scan3A_115 = %scan3A_20 to %scan3A_22 step %scan3A_23 iter_args(%scan3A_116 = %scan3A) -> (i32)  : i32 {
      %get3A = arith.index_cast %scan3A_115 : i32 to index
      %get3A_117 = arith.constant 0 : index
      %get3A_118 = tpu.vector_load %arg7[%get3A, %get3A_117] {strides = array<i32>} : memref<128x128xf32, #tpu.memory_space<vmem>>, vector<1x16xf32>,
      %get3A_119 = vector.shape_cast %get3A_118 : vector<1x16xf32> to vector<16xf32>
      %get3A_120 = arith.index_cast %scan3A_115 : i32 to index
      %get3A_121 = arith.constant 0 : index
      %get3A_122 = tpu.vector_load %arg8[%get3A_120, %get3A_121] {strides = array<i32>} : memref<128x128xf32, #tpu.memory_space<vmem>>, vector<1x16xf32>,
      %get3A_123 = vector.shape_cast %get3A_122 : vector<1x16xf32> to vector<16xf32>
      %add3A_124 = arith.addf %get3A_119, %get3A_123 : vector<16xf32>
      %swap3A = arith.index_cast %scan3A_115 : i32 to index
      %swap3A_125 = arith.constant 0 : index
      %swap3A_126 = tpu.vector_load %arg7[%swap3A, %swap3A_125] {strides = array<i32>} : memref<128x128xf32, #tpu.memory_space<vmem>>, vector<1x16xf32>,
      %swap3A_127 = vector.shape_cast %swap3A_126 : vector<1x16xf32> to vector<16xf32>
      %swap3A_128 = vector.shape_cast %add3A_124 : vector<16xf32> to vector<1x16xf32>
      tpu.vector_store %arg7[%swap3A, %swap3A_125], %swap3A_128 {strides = array<i32>} : memref<128x128xf32, #tpu.memory_space<vmem>>, vector<1x16xf32>,
      %get3A_129 = arith.index_cast %scan3A_115 : i32 to index
      %get3A_130 = arith.constant 16 : index
      %get3A_131 = tpu.vector_load %arg7[%get3A_129, %get3A_130] {strides = array<i32>} : memref<128x128xf32, #tpu.memory_space<vmem>>, vector<1x16xf32>,
      %get3A_132 = vector.shape_cast %get3A_131 : vector<1x16xf32> to vector<16xf32>
      %get3A_133 = arith.index_cast %scan3A_115 : i32 to index
      %get3A_134 = arith.constant 16 : index
      %get3A_135 = tpu.vector_load %arg8[%get3A_133, %get3A_134] {strides = array<i32>} : memref<128x128xf32, #tpu.memory_space<vmem>>, vector<1x16xf32>,
      %get3A_136 = vector.shape_cast %get3A_135 : vector<1x16xf32> to vector<16xf32>
      %add3A_137 = arith.addf %get3A_132, %get3A_136 : vector<16xf32>
      %swap3A_138 = arith.index_cast %scan3A_115 : i32 to index
      %swap3A_139 = arith.constant 16 : index
      %swap3A_140 = tpu.vector_load %arg7[%swap3A_138, %swap3A_139] {strides = array<i32>} : memref<128x128xf32, #tpu.memory_space<vmem>>, vector<1x16xf32>,
      %swap3A_141 = vector.shape_cast %swap3A_140 : vector<1x16xf32> to vector<16xf32>
      %swap3A_142 = vector.shape_cast %add3A_137 : vector<16xf32> to vector<1x16xf32>
      tpu.vector_store %arg7[%swap3A_138, %swap3A_139], %swap3A_142 {strides = array<i32>} : memref<128x128xf32, #tpu.memory_space<vmem>>, vector<1x16xf32>,
      %get3A_143 = arith.index_cast %scan3A_115 : i32 to index
      %get3A_144 = arith.constant 32 : index
      %get3A_145 = tpu.vector_load %arg7[%get3A_143, %get3A_144] {strides = array<i32>} : memref<128x128xf32, #tpu.memory_space<vmem>>, vector<1x16xf32>,
      %get3A_146 = vector.shape_cast %get3A_145 : vector<1x16xf32> to vector<16xf32>
      %get3A_147 = arith.index_cast %scan3A_115 : i32 to index
      %get3A_148 = arith.constant 32 : index
      %get3A_149 = tpu.vector_load %arg8[%get3A_147, %get3A_148] {strides = array<i32>} : memref<128x128xf32, #tpu.memory_space<vmem>>, vector<1x16xf32>,
      %get3A_150 = vector.shape_cast %get3A_149 : vector<1x16xf32> to vector<16xf32>
      %add3A_151 = arith.addf %get3A_146, %get3A_150 : vector<16xf32>
      %swap3A_152 = arith.index_cast %scan3A_115 : i32 to index
      %swap3A_153 = arith.constant 32 : index
      %swap3A_154 = tpu.vector_load %arg7[%swap3A_152, %swap3A_153] {strides = array<i32>} : memref<128x128xf32, #tpu.memory_space<vmem>>, vector<1x16xf32>,
      %swap3A_155 = vector.shape_cast %swap3A_154 : vector<1x16xf32> to vector<16xf32>
      %swap3A_156 = vector.shape_cast %add3A_151 : vector<16xf32> to vector<1x16xf32>
      tpu.vector_store %arg7[%swap3A_152, %swap3A_153], %swap3A_156 {strides = array<i32>} : memref<128x128xf32, #tpu.memory_space<vmem>>, vector<1x16xf32>,
      %get3A_157 = arith.index_cast %scan3A_115 : i32 to index
      %get3A_158 = arith.constant 48 : index
      %get3A_159 = tpu.vector_load %arg7[%get3A_157, %get3A_158] {strides = array<i32>} : memref<128x128xf32, #tpu.memory_space<vmem>>, vector<1x16xf32>,
      %get3A_160 = vector.shape_cast %get3A_159 : vector<1x16xf32> to vector<16xf32>
      %get3A_161 = arith.index_cast %scan3A_115 : i32 to index
      %get3A_162 = arith.constant 48 : index
      %get3A_163 = tpu.vector_load %arg8[%get3A_161, %get3A_162] {strides = array<i32>} : memref<128x128xf32, #tpu.memory_space<vmem>>, vector<1x16xf32>,
      %get3A_164 = vector.shape_cast %get3A_163 : vector<1x16xf32> to vector<16xf32>
      %add3A_165 = arith.addf %get3A_160, %get3A_164 : vector<16xf32>
      %swap3A_166 = arith.index_cast %scan3A_115 : i32 to index
      %swap3A_167 = arith.constant 48 : index
      %swap3A_168 = tpu.vector_load %arg7[%swap3A_166, %swap3A_167] {strides = array<i32>} : memref<128x128xf32, #tpu.memory_space<vmem>>, vector<1x16xf32>,
      %swap3A_169 = vector.shape_cast %swap3A_168 : vector<1x16xf32> to vector<16xf32>
      %swap3A_170 = vector.shape_cast %add3A_165 : vector<16xf32> to vector<1x16xf32>
      tpu.vector_store %arg7[%swap3A_166, %swap3A_167], %swap3A_170 {strides = array<i32>} : memref<128x128xf32, #tpu.memory_space<vmem>>, vector<1x16xf32>,
      %get3A_171 = arith.index_cast %scan3A_115 : i32 to index
      %get3A_172 = arith.constant 64 : index
      %get3A_173 = tpu.vector_load %arg7[%get3A_171, %get3A_172] {strides = array<i32>} : memref<128x128xf32, #tpu.memory_space<vmem>>, vector<1x16xf32>,
      %get3A_174 = vector.shape_cast %get3A_173 : vector<1x16xf32> to vector<16xf32>
      %get3A_175 = arith.index_cast %scan3A_115 : i32 to index
      %get3A_176 = arith.constant 64 : index
      %get3A_177 = tpu.vector_load %arg8[%get3A_175, %get3A_176] {strides = array<i32>} : memref<128x128xf32, #tpu.memory_space<vmem>>, vector<1x16xf32>,
      %get3A_178 = vector.shape_cast %get3A_177 : vector<1x16xf32> to vector<16xf32>
      %add3A_179 = arith.addf %get3A_174, %get3A_178 : vector<16xf32>
      %swap3A_180 = arith.index_cast %scan3A_115 : i32 to index
      %swap3A_181 = arith.constant 64 : index
      %swap3A_182 = tpu.vector_load %arg7[%swap3A_180, %swap3A_181] {strides = array<i32>} : memref<128x128xf32, #tpu.memory_space<vmem>>, vector<1x16xf32>,
      %swap3A_183 = vector.shape_cast %swap3A_182 : vector<1x16xf32> to vector<16xf32>
      %swap3A_184 = vector.shape_cast %add3A_179 : vector<16xf32> to vector<1x16xf32>
      tpu.vector_store %arg7[%swap3A_180, %swap3A_181], %swap3A_184 {strides = array<i32>} : memref<128x128xf32, #tpu.memory_space<vmem>>, vector<1x16xf32>,
      %get3A_185 = arith.index_cast %scan3A_115 : i32 to index
      %get3A_186 = arith.constant 80 : index
      %get3A_187 = tpu.vector_load %arg7[%get3A_185, %get3A_186] {strides = array<i32>} : memref<128x128xf32, #tpu.memory_space<vmem>>, vector<1x16xf32>,
      %get3A_188 = vector.shape_cast %get3A_187 : vector<1x16xf32> to vector<16xf32>
      %get3A_189 = arith.index_cast %scan3A_115 : i32 to index
      %get3A_190 = arith.constant 80 : index
      %get3A_191 = tpu.vector_load %arg8[%get3A_189, %get3A_190] {strides = array<i32>} : memref<128x128xf32, #tpu.memory_space<vmem>>, vector<1x16xf32>,
      %get3A_192 = vector.shape_cast %get3A_191 : vector<1x16xf32> to vector<16xf32>
      %add3A_193 = arith.addf %get3A_188, %get3A_192 : vector<16xf32>
      %swap3A_194 = arith.index_cast %scan3A_115 : i32 to index
      %swap3A_195 = arith.constant 80 : index
      %swap3A_196 = tpu.vector_load %arg7[%swap3A_194, %swap3A_195] {strides = array<i32>} : memref<128x128xf32, #tpu.memory_space<vmem>>, vector<1x16xf32>,
      %swap3A_197 = vector.shape_cast %swap3A_196 : vector<1x16xf32> to vector<16xf32>
      %swap3A_198 = vector.shape_cast %add3A_193 : vector<16xf32> to vector<1x16xf32>
      tpu.vector_store %arg7[%swap3A_194, %swap3A_195], %swap3A_198 {strides = array<i32>} : memref<128x128xf32, #tpu.memory_space<vmem>>, vector<1x16xf32>,
      %get3A_199 = arith.index_cast %scan3A_115 : i32 to index
      %get3A_200 = arith.constant 96 : index
      %get3A_201 = tpu.vector_load %arg7[%get3A_199, %get3A_200] {strides = array<i32>} : memref<128x128xf32, #tpu.memory_space<vmem>>, vector<1x16xf32>,
      %get3A_202 = vector.shape_cast %get3A_201 : vector<1x16xf32> to vector<16xf32>
      %get3A_203 = arith.index_cast %scan3A_115 : i32 to index
      %get3A_204 = arith.constant 96 : index
      %get3A_205 = tpu.vector_load %arg8[%get3A_203, %get3A_204] {strides = array<i32>} : memref<128x128xf32, #tpu.memory_space<vmem>>, vector<1x16xf32>,
      %get3A_206 = vector.shape_cast %get3A_205 : vector<1x16xf32> to vector<16xf32>
      %add3A_207 = arith.addf %get3A_202, %get3A_206 : vector<16xf32>
      %swap3A_208 = arith.index_cast %scan3A_115 : i32 to index
      %swap3A_209 = arith.constant 96 : index
      %swap3A_210 = tpu.vector_load %arg7[%swap3A_208, %swap3A_209] {strides = array<i32>} : memref<128x128xf32, #tpu.memory_space<vmem>>, vector<1x16xf32>,
      %swap3A_211 = vector.shape_cast %swap3A_210 : vector<1x16xf32> to vector<16xf32>
      %swap3A_212 = vector.shape_cast %add3A_207 : vector<16xf32> to vector<1x16xf32>
      tpu.vector_store %arg7[%swap3A_208, %swap3A_209], %swap3A_212 {strides = array<i32>} : memref<128x128xf32, #tpu.memory_space<vmem>>, vector<1x16xf32>,
      %get3A_213 = arith.index_cast %scan3A_115 : i32 to index
      %get3A_214 = arith.constant 112 : index
      %get3A_215 = tpu.vector_load %arg7[%get3A_213, %get3A_214] {strides = array<i32>} : memref<128x128xf32, #tpu.memory_space<vmem>>, vector<1x16xf32>,
      %get3A_216 = vector.shape_cast %get3A_215 : vector<1x16xf32> to vector<16xf32>
      %get3A_217 = arith.index_cast %scan3A_115 : i32 to index
      %get3A_218 = arith.constant 112 : index
      %get3A_219 = tpu.vector_load %arg8[%get3A_217, %get3A_218] {strides = array<i32>} : memref<128x128xf32, #tpu.memory_space<vmem>>, vector<1x16xf32>,
      %get3A_220 = vector.shape_cast %get3A_219 : vector<1x16xf32> to vector<16xf32>
      %add3A_221 = arith.addf %get3A_216, %get3A_220 : vector<16xf32>
      %swap3A_222 = arith.index_cast %scan3A_115 : i32 to index
      %swap3A_223 = arith.constant 112 : index
      %swap3A_224 = tpu.vector_load %arg7[%swap3A_222, %swap3A_223] {strides = array<i32>} : memref<128x128xf32, #tpu.memory_space<vmem>>, vector<1x16xf32>,
      %swap3A_225 = vector.shape_cast %swap3A_224 : vector<1x16xf32> to vector<16xf32>
      %swap3A_226 = vector.shape_cast %add3A_221 : vector<16xf32> to vector<1x16xf32>
      tpu.vector_store %arg7[%swap3A_222, %swap3A_223], %swap3A_226 {strides = array<i32>} : memref<128x128xf32, #tpu.memory_space<vmem>>, vector<1x16xf32>,
      %scan3A_227 = arith.constant 0 : i32
      scf.yield %scan3A_227 : i32
    }
    %scan3A_25 = arith.constant 128 : i32
    %mul3A_26 = arith.constant 128 : i32
    %mul3A_27 = arith.muli %add3A_4, %mul3A_26 : i32
    "tpu.region"() ({
      %run_scoped3A = tpu.sem_alloc : memref<!tpu.dma_semaphore, #tpu.memory_space<semaphore_mem>>
      %dma_start3A_115 = arith.constant 0 : i32
      %dma_start3A_116 = tpu.memref_slice %arg5[%mul3A_27, %dma_start3A_115] : memref<16384x128xf32, #tpu.memory_space<hbm>> -> memref<128x128xf32, #tpu.memory_space<hbm>>
      %dma_start3A_117 = arith.constant 0 : i32
      %dma_start3A_118 = tpu.memref_slice %arg5[%mul3A_27, %dma_start3A_117] : memref<16384x128xf32, #tpu.memory_space<hbm>> -> memref<128x128xf32, #tpu.memory_space<hbm>>
      tpu.enqueue_dma source(%arg7 : memref<128x128xf32, #tpu.memory_space<vmem>>) target(%dma_start3A_118 : memref<128x128xf32, #tpu.memory_space<hbm>>) target_semaphore(%run_scoped3A : memref<!tpu.dma_semaphore, #tpu.memory_space<semaphore_mem>>)
      %dma_wait3A_119 = arith.constant 0 : i32
      %dma_wait3A_120 = tpu.memref_slice %arg5[%mul3A_27, %dma_wait3A_119] : memref<16384x128xf32, #tpu.memory_space<hbm>> -> memref<128x128xf32, #tpu.memory_space<hbm>>
      %dma_wait3A_121 = arith.constant 0 : i32
      %dma_wait3A_122 = tpu.memref_slice %arg5[%mul3A_27, %dma_wait3A_121] : memref<16384x128xf32, #tpu.memory_space<hbm>> -> memref<128x128xf32, #tpu.memory_space<hbm>>
      tpu.wait_dma2 semaphore(%run_scoped3A : memref<!tpu.dma_semaphore, #tpu.memory_space<semaphore_mem>>) src(%arg7 : memref<128x128xf32, #tpu.memory_space<vmem>>) dst(%dma_wait3A_122 : memref<128x128xf32, #tpu.memory_space<hbm>>)
      tpu.yield
    }) : () -> ()
    %add3A_28 = arith.constant 1 : i32
    %add3A_29 = arith.addi %mul3A_2, %add3A_28 : i32
    %rem3A_30 = arith.constant 32 : i32
    %rem3A_31 = arith.remsi %add3A_29, %rem3A_30 : i32
    %dma_start3A_32 = arith.constant 1 : i32
    %dma_start3A_33 = arith.constant 0 : i32
    %dma_start3A_34 = tpu.memref_slice %arg6[%dma_start3A_32, %dma_start3A_33] : memref<4x128xi32, #tpu.memory_space<vmem>> -> memref<1x128xi32, #tpu.memory_space<vmem>>
    %dma_start3A_35 = tpu.memref_squeeze %dma_start3A_34 : memref<1x128xi32, #tpu.memory_space<vmem>> -> memref<128xi32, #tpu.memory_space<vmem>>
    %dma_start3A_36 = arith.constant 0 : i32
    %dma_start3A_37 = arith.constant 0 : i32
    %dma_start3A_38 = tpu.memref_slice %arg2[%dma_start3A_36, %dma_start3A_37] : memref<1000000x128xf32, #tpu.memory_space<hbm>> -> memref<1000000x128xf32, #tpu.memory_space<hbm>>
    tpu.enqueue_indirect_dma source(%dma_start3A_38 : memref<1000000x128xf32, #tpu.memory_space<hbm>>) target(%arg7 : memref<128x128xf32, #tpu.memory_space<vmem>>) offsets(%dma_start3A_35 : memref<128xi32, #tpu.memory_space<vmem>>) semaphore(%arg9 : memref<!tpu.dma_semaphore, #tpu.memory_space<semaphore_mem>>)
    %dma_wait3A_39 = arith.constant 1 : i32
    %dma_wait3A_40 = arith.constant 0 : i32
    %dma_wait3A_41 = tpu.memref_slice %arg6[%dma_wait3A_39, %dma_wait3A_40] : memref<4x128xi32, #tpu.memory_space<vmem>> -> memref<1x128xi32, #tpu.memory_space<vmem>>
    %dma_wait3A_42 = tpu.memref_squeeze %dma_wait3A_41 : memref<1x128xi32, #tpu.memory_space<vmem>> -> memref<128xi32, #tpu.memory_space<vmem>>
    %dma_wait3A_43 = arith.constant 0 : i32
    %dma_wait3A_44 = arith.constant 0 : i32
    %dma_wait3A_45 = tpu.memref_slice %arg2[%dma_wait3A_43, %dma_wait3A_44] : memref<1000000x128xf32, #tpu.memory_space<hbm>> -> memref<1000000x128xf32, #tpu.memory_space<hbm>>
    tpu.wait_indirect_dma semaphore(%arg9 : memref<!tpu.dma_semaphore, #tpu.memory_space<semaphore_mem>>) src(%dma_wait3A_45 : memref<1000000x128xf32, #tpu.memory_space<hbm>>) dst(%arg7 : memref<128x128xf32, #tpu.memory_space<vmem>>)
    %mul3A_46 = arith.constant 128 : i32
    %mul3A_47 = arith.muli %rem3A_31, %mul3A_46 : i32
    "tpu.region"() ({
      %run_scoped3A = tpu.sem_alloc : memref<!tpu.dma_semaphore, #tpu.memory_space<semaphore_mem>>
      %dma_start3A_115 = arith.constant 0 : i32
      %dma_start3A_116 = tpu.memref_slice %arg4[%mul3A_47, %dma_start3A_115] : memref<4096x128xf32, #tpu.memory_space<hbm>> -> memref<128x128xf32, #tpu.memory_space<hbm>>
      %dma_start3A_117 = arith.constant 0 : i32
      %dma_start3A_118 = tpu.memref_slice %arg4[%mul3A_47, %dma_start3A_117] : memref<4096x128xf32, #tpu.memory_space<hbm>> -> memref<128x128xf32, #tpu.memory_space<hbm>>
      tpu.enqueue_dma source(%dma_start3A_118 : memref<128x128xf32, #tpu.memory_space<hbm>>) target(%arg8 : memref<128x128xf32, #tpu.memory_space<vmem>>) target_semaphore(%run_scoped3A : memref<!tpu.dma_semaphore, #tpu.memory_space<semaphore_mem>>)
      %dma_wait3A_119 = arith.constant 0 : i32
      %dma_wait3A_120 = tpu.memref_slice %arg4[%mul3A_47, %dma_wait3A_119] : memref<4096x128xf32, #tpu.memory_space<hbm>> -> memref<128x128xf32, #tpu.memory_space<hbm>>
      %dma_wait3A_121 = arith.constant 0 : i32
      %dma_wait3A_122 = tpu.memref_slice %arg4[%mul3A_47, %dma_wait3A_121] : memref<4096x128xf32, #tpu.memory_space<hbm>> -> memref<128x128xf32, #tpu.memory_space<hbm>>
      tpu.wait_dma2 semaphore(%run_scoped3A : memref<!tpu.dma_semaphore, #tpu.memory_space<semaphore_mem>>) src(%dma_wait3A_122 : memref<128x128xf32, #tpu.memory_space<hbm>>) dst(%arg8 : memref<128x128xf32, #tpu.memory_space<vmem>>)
      tpu.yield
    }) : () -> ()
    %scan3A_48 = arith.constant 0 : i32
    %scan3A_49 = arith.constant 0 : i32
    %scan3A_50 = arith.constant 128 : i32
    %scan3A_51 = arith.addi %scan3A_49, %scan3A_50 : i32
    %scan3A_52 = arith.constant 1 : i32
    %scan3A_53 = scf.for %scan3A_115 = %scan3A_49 to %scan3A_51 step %scan3A_52 iter_args(%scan3A_116 = %scan3A_48) -> (i32)  : i32 {
      %get3A = arith.index_cast %scan3A_115 : i32 to index
      %get3A_117 = arith.constant 0 : index
      %get3A_118 = tpu.vector_load %arg7[%get3A, %get3A_117] {strides = array<i32>} : memref<128x128xf32, #tpu.memory_space<vmem>>, vector<1x16xf32>,
      %get3A_119 = vector.shape_cast %get3A_118 : vector<1x16xf32> to vector<16xf32>
      %get3A_120 = arith.index_cast %scan3A_115 : i32 to index
      %get3A_121 = arith.constant 0 : index
      %get3A_122 = tpu.vector_load %arg8[%get3A_120, %get3A_121] {strides = array<i32>} : memref<128x128xf32, #tpu.memory_space<vmem>>, vector<1x16xf32>,
      %get3A_123 = vector.shape_cast %get3A_122 : vector<1x16xf32> to vector<16xf32>
      %add3A_124 = arith.addf %get3A_119, %get3A_123 : vector<16xf32>
      %swap3A = arith.index_cast %scan3A_115 : i32 to index
      %swap3A_125 = arith.constant 0 : index
      %swap3A_126 = tpu.vector_load %arg7[%swap3A, %swap3A_125] {strides = array<i32>} : memref<128x128xf32, #tpu.memory_space<vmem>>, vector<1x16xf32>,
      %swap3A_127 = vector.shape_cast %swap3A_126 : vector<1x16xf32> to vector<16xf32>
      %swap3A_128 = vector.shape_cast %add3A_124 : vector<16xf32> to vector<1x16xf32>
      tpu.vector_store %arg7[%swap3A, %swap3A_125], %swap3A_128 {strides = array<i32>} : memref<128x128xf32, #tpu.memory_space<vmem>>, vector<1x16xf32>,
      %get3A_129 = arith.index_cast %scan3A_115 : i32 to index
      %get3A_130 = arith.constant 16 : index
      %get3A_131 = tpu.vector_load %arg7[%get3A_129, %get3A_130] {strides = array<i32>} : memref<128x128xf32, #tpu.memory_space<vmem>>, vector<1x16xf32>,
      %get3A_132 = vector.shape_cast %get3A_131 : vector<1x16xf32> to vector<16xf32>
      %get3A_133 = arith.index_cast %scan3A_115 : i32 to index
      %get3A_134 = arith.constant 16 : index
      %get3A_135 = tpu.vector_load %arg8[%get3A_133, %get3A_134] {strides = array<i32>} : memref<128x128xf32, #tpu.memory_space<vmem>>, vector<1x16xf32>,
      %get3A_136 = vector.shape_cast %get3A_135 : vector<1x16xf32> to vector<16xf32>
      %add3A_137 = arith.addf %get3A_132, %get3A_136 : vector<16xf32>
      %swap3A_138 = arith.index_cast %scan3A_115 : i32 to index
      %swap3A_139 = arith.constant 16 : index
      %swap3A_140 = tpu.vector_load %arg7[%swap3A_138, %swap3A_139] {strides = array<i32>} : memref<128x128xf32, #tpu.memory_space<vmem>>, vector<1x16xf32>,
      %swap3A_141 = vector.shape_cast %swap3A_140 : vector<1x16xf32> to vector<16xf32>
      %swap3A_142 = vector.shape_cast %add3A_137 : vector<16xf32> to vector<1x16xf32>
      tpu.vector_store %arg7[%swap3A_138, %swap3A_139], %swap3A_142 {strides = array<i32>} : memref<128x128xf32, #tpu.memory_space<vmem>>, vector<1x16xf32>,
      %get3A_143 = arith.index_cast %scan3A_115 : i32 to index
      %get3A_144 = arith.constant 32 : index
      %get3A_145 = tpu.vector_load %arg7[%get3A_143, %get3A_144] {strides = array<i32>} : memref<128x128xf32, #tpu.memory_space<vmem>>, vector<1x16xf32>,
      %get3A_146 = vector.shape_cast %get3A_145 : vector<1x16xf32> to vector<16xf32>
      %get3A_147 = arith.index_cast %scan3A_115 : i32 to index
      %get3A_148 = arith.constant 32 : index
      %get3A_149 = tpu.vector_load %arg8[%get3A_147, %get3A_148] {strides = array<i32>} : memref<128x128xf32, #tpu.memory_space<vmem>>, vector<1x16xf32>,
      %get3A_150 = vector.shape_cast %get3A_149 : vector<1x16xf32> to vector<16xf32>
      %add3A_151 = arith.addf %get3A_146, %get3A_150 : vector<16xf32>
      %swap3A_152 = arith.index_cast %scan3A_115 : i32 to index
      %swap3A_153 = arith.constant 32 : index
      %swap3A_154 = tpu.vector_load %arg7[%swap3A_152, %swap3A_153] {strides = array<i32>} : memref<128x128xf32, #tpu.memory_space<vmem>>, vector<1x16xf32>,
      %swap3A_155 = vector.shape_cast %swap3A_154 : vector<1x16xf32> to vector<16xf32>
      %swap3A_156 = vector.shape_cast %add3A_151 : vector<16xf32> to vector<1x16xf32>
      tpu.vector_store %arg7[%swap3A_152, %swap3A_153], %swap3A_156 {strides = array<i32>} : memref<128x128xf32, #tpu.memory_space<vmem>>, vector<1x16xf32>,
      %get3A_157 = arith.index_cast %scan3A_115 : i32 to index
      %get3A_158 = arith.constant 48 : index
      %get3A_159 = tpu.vector_load %arg7[%get3A_157, %get3A_158] {strides = array<i32>} : memref<128x128xf32, #tpu.memory_space<vmem>>, vector<1x16xf32>,
      %get3A_160 = vector.shape_cast %get3A_159 : vector<1x16xf32> to vector<16xf32>
      %get3A_161 = arith.index_cast %scan3A_115 : i32 to index
      %get3A_162 = arith.constant 48 : index
      %get3A_163 = tpu.vector_load %arg8[%get3A_161, %get3A_162] {strides = array<i32>} : memref<128x128xf32, #tpu.memory_space<vmem>>, vector<1x16xf32>,
      %get3A_164 = vector.shape_cast %get3A_163 : vector<1x16xf32> to vector<16xf32>
      %add3A_165 = arith.addf %get3A_160, %get3A_164 : vector<16xf32>
      %swap3A_166 = arith.index_cast %scan3A_115 : i32 to index
      %swap3A_167 = arith.constant 48 : index
      %swap3A_168 = tpu.vector_load %arg7[%swap3A_166, %swap3A_167] {strides = array<i32>} : memref<128x128xf32, #tpu.memory_space<vmem>>, vector<1x16xf32>,
      %swap3A_169 = vector.shape_cast %swap3A_168 : vector<1x16xf32> to vector<16xf32>
      %swap3A_170 = vector.shape_cast %add3A_165 : vector<16xf32> to vector<1x16xf32>
      tpu.vector_store %arg7[%swap3A_166, %swap3A_167], %swap3A_170 {strides = array<i32>} : memref<128x128xf32, #tpu.memory_space<vmem>>, vector<1x16xf32>,
      %get3A_171 = arith.index_cast %scan3A_115 : i32 to index
      %get3A_172 = arith.constant 64 : index
      %get3A_173 = tpu.vector_load %arg7[%get3A_171, %get3A_172] {strides = array<i32>} : memref<128x128xf32, #tpu.memory_space<vmem>>, vector<1x16xf32>,
      %get3A_174 = vector.shape_cast %get3A_173 : vector<1x16xf32> to vector<16xf32>
      %get3A_175 = arith.index_cast %scan3A_115 : i32 to index
      %get3A_176 = arith.constant 64 : index
      %get3A_177 = tpu.vector_load %arg8[%get3A_175, %get3A_176] {strides = array<i32>} : memref<128x128xf32, #tpu.memory_space<vmem>>, vector<1x16xf32>,
      %get3A_178 = vector.shape_cast %get3A_177 : vector<1x16xf32> to vector<16xf32>
      %add3A_179 = arith.addf %get3A_174, %get3A_178 : vector<16xf32>
      %swap3A_180 = arith.index_cast %scan3A_115 : i32 to index
      %swap3A_181 = arith.constant 64 : index
      %swap3A_182 = tpu.vector_load %arg7[%swap3A_180, %swap3A_181] {strides = array<i32>} : memref<128x128xf32, #tpu.memory_space<vmem>>, vector<1x16xf32>,
      %swap3A_183 = vector.shape_cast %swap3A_182 : vector<1x16xf32> to vector<16xf32>
      %swap3A_184 = vector.shape_cast %add3A_179 : vector<16xf32> to vector<1x16xf32>
      tpu.vector_store %arg7[%swap3A_180, %swap3A_181], %swap3A_184 {strides = array<i32>} : memref<128x128xf32, #tpu.memory_space<vmem>>, vector<1x16xf32>,
      %get3A_185 = arith.index_cast %scan3A_115 : i32 to index
      %get3A_186 = arith.constant 80 : index
      %get3A_187 = tpu.vector_load %arg7[%get3A_185, %get3A_186] {strides = array<i32>} : memref<128x128xf32, #tpu.memory_space<vmem>>, vector<1x16xf32>,
      %get3A_188 = vector.shape_cast %get3A_187 : vector<1x16xf32> to vector<16xf32>
      %get3A_189 = arith.index_cast %scan3A_115 : i32 to index
      %get3A_190 = arith.constant 80 : index
      %get3A_191 = tpu.vector_load %arg8[%get3A_189, %get3A_190] {strides = array<i32>} : memref<128x128xf32, #tpu.memory_space<vmem>>, vector<1x16xf32>,
      %get3A_192 = vector.shape_cast %get3A_191 : vector<1x16xf32> to vector<16xf32>
      %add3A_193 = arith.addf %get3A_188, %get3A_192 : vector<16xf32>
      %swap3A_194 = arith.index_cast %scan3A_115 : i32 to index
      %swap3A_195 = arith.constant 80 : index
      %swap3A_196 = tpu.vector_load %arg7[%swap3A_194, %swap3A_195] {strides = array<i32>} : memref<128x128xf32, #tpu.memory_space<vmem>>, vector<1x16xf32>,
      %swap3A_197 = vector.shape_cast %swap3A_196 : vector<1x16xf32> to vector<16xf32>
      %swap3A_198 = vector.shape_cast %add3A_193 : vector<16xf32> to vector<1x16xf32>
      tpu.vector_store %arg7[%swap3A_194, %swap3A_195], %swap3A_198 {strides = array<i32>} : memref<128x128xf32, #tpu.memory_space<vmem>>, vector<1x16xf32>,
      %get3A_199 = arith.index_cast %scan3A_115 : i32 to index
      %get3A_200 = arith.constant 96 : index
      %get3A_201 = tpu.vector_load %arg7[%get3A_199, %get3A_200] {strides = array<i32>} : memref<128x128xf32, #tpu.memory_space<vmem>>, vector<1x16xf32>,
      %get3A_202 = vector.shape_cast %get3A_201 : vector<1x16xf32> to vector<16xf32>
      %get3A_203 = arith.index_cast %scan3A_115 : i32 to index
      %get3A_204 = arith.constant 96 : index
      %get3A_205 = tpu.vector_load %arg8[%get3A_203, %get3A_204] {strides = array<i32>} : memref<128x128xf32, #tpu.memory_space<vmem>>, vector<1x16xf32>,
      %get3A_206 = vector.shape_cast %get3A_205 : vector<1x16xf32> to vector<16xf32>
      %add3A_207 = arith.addf %get3A_202, %get3A_206 : vector<16xf32>
      %swap3A_208 = arith.index_cast %scan3A_115 : i32 to index
      %swap3A_209 = arith.constant 96 : index
      %swap3A_210 = tpu.vector_load %arg7[%swap3A_208, %swap3A_209] {strides = array<i32>} : memref<128x128xf32, #tpu.memory_space<vmem>>, vector<1x16xf32>,
      %swap3A_211 = vector.shape_cast %swap3A_210 : vector<1x16xf32> to vector<16xf32>
      %swap3A_212 = vector.shape_cast %add3A_207 : vector<16xf32> to vector<1x16xf32>
      tpu.vector_store %arg7[%swap3A_208, %swap3A_209], %swap3A_212 {strides = array<i32>} : memref<128x128xf32, #tpu.memory_space<vmem>>, vector<1x16xf32>,
      %get3A_213 = arith.index_cast %scan3A_115 : i32 to index
      %get3A_214 = arith.constant 112 : index
      %get3A_215 = tpu.vector_load %arg7[%get3A_213, %get3A_214] {strides = array<i32>} : memref<128x128xf32, #tpu.memory_space<vmem>>, vector<1x16xf32>,
      %get3A_216 = vector.shape_cast %get3A_215 : vector<1x16xf32> to vector<16xf32>
      %get3A_217 = arith.index_cast %scan3A_115 : i32 to index
      %get3A_218 = arith.constant 112 : index
      %get3A_219 = tpu.vector_load %arg8[%get3A_217, %get3A_218] {strides = array<i32>} : memref<128x128xf32, #tpu.memory_space<vmem>>, vector<1x16xf32>,
      %get3A_220 = vector.shape_cast %get3A_219 : vector<1x16xf32> to vector<16xf32>
      %add3A_221 = arith.addf %get3A_216, %get3A_220 : vector<16xf32>
      %swap3A_222 = arith.index_cast %scan3A_115 : i32 to index
      %swap3A_223 = arith.constant 112 : index
      %swap3A_224 = tpu.vector_load %arg7[%swap3A_222, %swap3A_223] {strides = array<i32>} : memref<128x128xf32, #tpu.memory_space<vmem>>, vector<1x16xf32>,
      %swap3A_225 = vector.shape_cast %swap3A_224 : vector<1x16xf32> to vector<16xf32>
      %swap3A_226 = vector.shape_cast %add3A_221 : vector<16xf32> to vector<1x16xf32>
      tpu.vector_store %arg7[%swap3A_222, %swap3A_223], %swap3A_226 {strides = array<i32>} : memref<128x128xf32, #tpu.memory_space<vmem>>, vector<1x16xf32>,
      %scan3A_227 = arith.constant 0 : i32
      scf.yield %scan3A_227 : i32
    }
    %scan3A_54 = arith.constant 128 : i32
    %mul3A_55 = arith.constant 128 : i32
    %mul3A_56 = arith.muli %add3A_29, %mul3A_55 : i32
    "tpu.region"() ({
      %run_scoped3A = tpu.sem_alloc : memref<!tpu.dma_semaphore, #tpu.memory_space<semaphore_mem>>
      %dma_start3A_115 = arith.constant 0 : i32
      %dma_start3A_116 = tpu.memref_slice %arg5[%mul3A_56, %dma_start3A_115] : memref<16384x128xf32, #tpu.memory_space<hbm>> -> memref<128x128xf32, #tpu.memory_space<hbm>>
      %dma_start3A_117 = arith.constant 0 : i32
      %dma_start3A_118 = tpu.memref_slice %arg5[%mul3A_56, %dma_start3A_117] : memref<16384x128xf32, #tpu.memory_space<hbm>> -> memref<128x128xf32, #tpu.memory_space<hbm>>
      tpu.enqueue_dma source(%arg7 : memref<128x128xf32, #tpu.memory_space<vmem>>) target(%dma_start3A_118 : memref<128x128xf32, #tpu.memory_space<hbm>>) target_semaphore(%run_scoped3A : memref<!tpu.dma_semaphore, #tpu.memory_space<semaphore_mem>>)
      %dma_wait3A_119 = arith.constant 0 : i32
      %dma_wait3A_120 = tpu.memref_slice %arg5[%mul3A_56, %dma_wait3A_119] : memref<16384x128xf32, #tpu.memory_space<hbm>> -> memref<128x128xf32, #tpu.memory_space<hbm>>
      %dma_wait3A_121 = arith.constant 0 : i32
      %dma_wait3A_122 = tpu.memref_slice %arg5[%mul3A_56, %dma_wait3A_121] : memref<16384x128xf32, #tpu.memory_space<hbm>> -> memref<128x128xf32, #tpu.memory_space<hbm>>
      tpu.wait_dma2 semaphore(%run_scoped3A : memref<!tpu.dma_semaphore, #tpu.memory_space<semaphore_mem>>) src(%arg7 : memref<128x128xf32, #tpu.memory_space<vmem>>) dst(%dma_wait3A_122 : memref<128x128xf32, #tpu.memory_space<hbm>>)
      tpu.yield
    }) : () -> ()
    %add3A_57 = arith.constant 2 : i32
    %add3A_58 = arith.addi %mul3A_2, %add3A_57 : i32
    %rem3A_59 = arith.constant 32 : i32
    %rem3A_60 = arith.remsi %add3A_58, %rem3A_59 : i32
    %dma_start3A_61 = arith.constant 2 : i32
    %dma_start3A_62 = arith.constant 0 : i32
    %dma_start3A_63 = tpu.memref_slice %arg6[%dma_start3A_61, %dma_start3A_62] : memref<4x128xi32, #tpu.memory_space<vmem>> -> memref<1x128xi32, #tpu.memory_space<vmem>>
    %dma_start3A_64 = tpu.memref_squeeze %dma_start3A_63 : memref<1x128xi32, #tpu.memory_space<vmem>> -> memref<128xi32, #tpu.memory_space<vmem>>
    %dma_start3A_65 = arith.constant 0 : i32
    %dma_start3A_66 = arith.constant 0 : i32
    %dma_start3A_67 = tpu.memref_slice %arg2[%dma_start3A_65, %dma_start3A_66] : memref<1000000x128xf32, #tpu.memory_space<hbm>> -> memref<1000000x128xf32, #tpu.memory_space<hbm>>
    tpu.enqueue_indirect_dma source(%dma_start3A_67 : memref<1000000x128xf32, #tpu.memory_space<hbm>>) target(%arg7 : memref<128x128xf32, #tpu.memory_space<vmem>>) offsets(%dma_start3A_64 : memref<128xi32, #tpu.memory_space<vmem>>) semaphore(%arg9 : memref<!tpu.dma_semaphore, #tpu.memory_space<semaphore_mem>>)
    %dma_wait3A_68 = arith.constant 2 : i32
    %dma_wait3A_69 = arith.constant 0 : i32
    %dma_wait3A_70 = tpu.memref_slice %arg6[%dma_wait3A_68, %dma_wait3A_69] : memref<4x128xi32, #tpu.memory_space<vmem>> -> memref<1x128xi32, #tpu.memory_space<vmem>>
    %dma_wait3A_71 = tpu.memref_squeeze %dma_wait3A_70 : memref<1x128xi32, #tpu.memory_space<vmem>> -> memref<128xi32, #tpu.memory_space<vmem>>
    %dma_wait3A_72 = arith.constant 0 : i32
    %dma_wait3A_73 = arith.constant 0 : i32
    %dma_wait3A_74 = tpu.memref_slice %arg2[%dma_wait3A_72, %dma_wait3A_73] : memref<1000000x128xf32, #tpu.memory_space<hbm>> -> memref<1000000x128xf32, #tpu.memory_space<hbm>>
    tpu.wait_indirect_dma semaphore(%arg9 : memref<!tpu.dma_semaphore, #tpu.memory_space<semaphore_mem>>) src(%dma_wait3A_74 : memref<1000000x128xf32, #tpu.memory_space<hbm>>) dst(%arg7 : memref<128x128xf32, #tpu.memory_space<vmem>>)
    %mul3A_75 = arith.constant 128 : i32
    %mul3A_76 = arith.muli %rem3A_60, %mul3A_75 : i32
    "tpu.region"() ({
      %run_scoped3A = tpu.sem_alloc : memref<!tpu.dma_semaphore, #tpu.memory_space<semaphore_mem>>
      %dma_start3A_115 = arith.constant 0 : i32
      %dma_start3A_116 = tpu.memref_slice %arg4[%mul3A_76, %dma_start3A_115] : memref<4096x128xf32, #tpu.memory_space<hbm>> -> memref<128x128xf32, #tpu.memory_space<hbm>>
      %dma_start3A_117 = arith.constant 0 : i32
      %dma_start3A_118 = tpu.memref_slice %arg4[%mul3A_76, %dma_start3A_117] : memref<4096x128xf32, #tpu.memory_space<hbm>> -> memref<128x128xf32, #tpu.memory_space<hbm>>
      tpu.enqueue_dma source(%dma_start3A_118 : memref<128x128xf32, #tpu.memory_space<hbm>>) target(%arg8 : memref<128x128xf32, #tpu.memory_space<vmem>>) target_semaphore(%run_scoped3A : memref<!tpu.dma_semaphore, #tpu.memory_space<semaphore_mem>>)
      %dma_wait3A_119 = arith.constant 0 : i32
      %dma_wait3A_120 = tpu.memref_slice %arg4[%mul3A_76, %dma_wait3A_119] : memref<4096x128xf32, #tpu.memory_space<hbm>> -> memref<128x128xf32, #tpu.memory_space<hbm>>
      %dma_wait3A_121 = arith.constant 0 : i32
      %dma_wait3A_122 = tpu.memref_slice %arg4[%mul3A_76, %dma_wait3A_121] : memref<4096x128xf32, #tpu.memory_space<hbm>> -> memref<128x128xf32, #tpu.memory_space<hbm>>
      tpu.wait_dma2 semaphore(%run_scoped3A : memref<!tpu.dma_semaphore, #tpu.memory_space<semaphore_mem>>) src(%dma_wait3A_122 : memref<128x128xf32, #tpu.memory_space<hbm>>) dst(%arg8 : memref<128x128xf32, #tpu.memory_space<vmem>>)
      tpu.yield
    }) : () -> ()
    %scan3A_77 = arith.constant 0 : i32
    %scan3A_78 = arith.constant 0 : i32
    %scan3A_79 = arith.constant 128 : i32
    %scan3A_80 = arith.addi %scan3A_78, %scan3A_79 : i32
    %scan3A_81 = arith.constant 1 : i32
    %scan3A_82 = scf.for %scan3A_115 = %scan3A_78 to %scan3A_80 step %scan3A_81 iter_args(%scan3A_116 = %scan3A_77) -> (i32)  : i32 {
      %get3A = arith.index_cast %scan3A_115 : i32 to index
      %get3A_117 = arith.constant 0 : index
      %get3A_118 = tpu.vector_load %arg7[%get3A, %get3A_117] {strides = array<i32>} : memref<128x128xf32, #tpu.memory_space<vmem>>, vector<1x16xf32>,
      %get3A_119 = vector.shape_cast %get3A_118 : vector<1x16xf32> to vector<16xf32>
      %get3A_120 = arith.index_cast %scan3A_115 : i32 to index
      %get3A_121 = arith.constant 0 : index
      %get3A_122 = tpu.vector_load %arg8[%get3A_120, %get3A_121] {strides = array<i32>} : memref<128x128xf32, #tpu.memory_space<vmem>>, vector<1x16xf32>,
      %get3A_123 = vector.shape_cast %get3A_122 : vector<1x16xf32> to vector<16xf32>
      %add3A_124 = arith.addf %get3A_119, %get3A_123 : vector<16xf32>
      %swap3A = arith.index_cast %scan3A_115 : i32 to index
      %swap3A_125 = arith.constant 0 : index
      %swap3A_126 = tpu.vector_load %arg7[%swap3A, %swap3A_125] {strides = array<i32>} : memref<128x128xf32, #tpu.memory_space<vmem>>, vector<1x16xf32>,
      %swap3A_127 = vector.shape_cast %swap3A_126 : vector<1x16xf32> to vector<16xf32>
      %swap3A_128 = vector.shape_cast %add3A_124 : vector<16xf32> to vector<1x16xf32>
      tpu.vector_store %arg7[%swap3A, %swap3A_125], %swap3A_128 {strides = array<i32>} : memref<128x128xf32, #tpu.memory_space<vmem>>, vector<1x16xf32>,
      %get3A_129 = arith.index_cast %scan3A_115 : i32 to index
      %get3A_130 = arith.constant 16 : index
      %get3A_131 = tpu.vector_load %arg7[%get3A_129, %get3A_130] {strides = array<i32>} : memref<128x128xf32, #tpu.memory_space<vmem>>, vector<1x16xf32>,
      %get3A_132 = vector.shape_cast %get3A_131 : vector<1x16xf32> to vector<16xf32>
      %get3A_133 = arith.index_cast %scan3A_115 : i32 to index
      %get3A_134 = arith.constant 16 : index
      %get3A_135 = tpu.vector_load %arg8[%get3A_133, %get3A_134] {strides = array<i32>} : memref<128x128xf32, #tpu.memory_space<vmem>>, vector<1x16xf32>,
      %get3A_136 = vector.shape_cast %get3A_135 : vector<1x16xf32> to vector<16xf32>
      %add3A_137 = arith.addf %get3A_132, %get3A_136 : vector<16xf32>
      %swap3A_138 = arith.index_cast %scan3A_115 : i32 to index
      %swap3A_139 = arith.constant 16 : index
      %swap3A_140 = tpu.vector_load %arg7[%swap3A_138, %swap3A_139] {strides = array<i32>} : memref<128x128xf32, #tpu.memory_space<vmem>>, vector<1x16xf32>,
      %swap3A_141 = vector.shape_cast %swap3A_140 : vector<1x16xf32> to vector<16xf32>
      %swap3A_142 = vector.shape_cast %add3A_137 : vector<16xf32> to vector<1x16xf32>
      tpu.vector_store %arg7[%swap3A_138, %swap3A_139], %swap3A_142 {strides = array<i32>} : memref<128x128xf32, #tpu.memory_space<vmem>>, vector<1x16xf32>,
      %get3A_143 = arith.index_cast %scan3A_115 : i32 to index
      %get3A_144 = arith.constant 32 : index
      %get3A_145 = tpu.vector_load %arg7[%get3A_143, %get3A_144] {strides = array<i32>} : memref<128x128xf32, #tpu.memory_space<vmem>>, vector<1x16xf32>,
      %get3A_146 = vector.shape_cast %get3A_145 : vector<1x16xf32> to vector<16xf32>
      %get3A_147 = arith.index_cast %scan3A_115 : i32 to index
      %get3A_148 = arith.constant 32 : index
      %get3A_149 = tpu.vector_load %arg8[%get3A_147, %get3A_148] {strides = array<i32>} : memref<128x128xf32, #tpu.memory_space<vmem>>, vector<1x16xf32>,
      %get3A_150 = vector.shape_cast %get3A_149 : vector<1x16xf32> to vector<16xf32>
      %add3A_151 = arith.addf %get3A_146, %get3A_150 : vector<16xf32>
      %swap3A_152 = arith.index_cast %scan3A_115 : i32 to index
      %swap3A_153 = arith.constant 32 : index
      %swap3A_154 = tpu.vector_load %arg7[%swap3A_152, %swap3A_153] {strides = array<i32>} : memref<128x128xf32, #tpu.memory_space<vmem>>, vector<1x16xf32>,
      %swap3A_155 = vector.shape_cast %swap3A_154 : vector<1x16xf32> to vector<16xf32>
      %swap3A_156 = vector.shape_cast %add3A_151 : vector<16xf32> to vector<1x16xf32>
      tpu.vector_store %arg7[%swap3A_152, %swap3A_153], %swap3A_156 {strides = array<i32>} : memref<128x128xf32, #tpu.memory_space<vmem>>, vector<1x16xf32>,
      %get3A_157 = arith.index_cast %scan3A_115 : i32 to index
      %get3A_158 = arith.constant 48 : index
      %get3A_159 = tpu.vector_load %arg7[%get3A_157, %get3A_158] {strides = array<i32>} : memref<128x128xf32, #tpu.memory_space<vmem>>, vector<1x16xf32>,
      %get3A_160 = vector.shape_cast %get3A_159 : vector<1x16xf32> to vector<16xf32>
      %get3A_161 = arith.index_cast %scan3A_115 : i32 to index
      %get3A_162 = arith.constant 48 : index
      %get3A_163 = tpu.vector_load %arg8[%get3A_161, %get3A_162] {strides = array<i32>} : memref<128x128xf32, #tpu.memory_space<vmem>>, vector<1x16xf32>,
      %get3A_164 = vector.shape_cast %get3A_163 : vector<1x16xf32> to vector<16xf32>
      %add3A_165 = arith.addf %get3A_160, %get3A_164 : vector<16xf32>
      %swap3A_166 = arith.index_cast %scan3A_115 : i32 to index
      %swap3A_167 = arith.constant 48 : index
      %swap3A_168 = tpu.vector_load %arg7[%swap3A_166, %swap3A_167] {strides = array<i32>} : memref<128x128xf32, #tpu.memory_space<vmem>>, vector<1x16xf32>,
      %swap3A_169 = vector.shape_cast %swap3A_168 : vector<1x16xf32> to vector<16xf32>
      %swap3A_170 = vector.shape_cast %add3A_165 : vector<16xf32> to vector<1x16xf32>
      tpu.vector_store %arg7[%swap3A_166, %swap3A_167], %swap3A_170 {strides = array<i32>} : memref<128x128xf32, #tpu.memory_space<vmem>>, vector<1x16xf32>,
      %get3A_171 = arith.index_cast %scan3A_115 : i32 to index
      %get3A_172 = arith.constant 64 : index
      %get3A_173 = tpu.vector_load %arg7[%get3A_171, %get3A_172] {strides = array<i32>} : memref<128x128xf32, #tpu.memory_space<vmem>>, vector<1x16xf32>,
      %get3A_174 = vector.shape_cast %get3A_173 : vector<1x16xf32> to vector<16xf32>
      %get3A_175 = arith.index_cast %scan3A_115 : i32 to index
      %get3A_176 = arith.constant 64 : index
      %get3A_177 = tpu.vector_load %arg8[%get3A_175, %get3A_176] {strides = array<i32>} : memref<128x128xf32, #tpu.memory_space<vmem>>, vector<1x16xf32>,
      %get3A_178 = vector.shape_cast %get3A_177 : vector<1x16xf32> to vector<16xf32>
      %add3A_179 = arith.addf %get3A_174, %get3A_178 : vector<16xf32>
      %swap3A_180 = arith.index_cast %scan3A_115 : i32 to index
      %swap3A_181 = arith.constant 64 : index
      %swap3A_182 = tpu.vector_load %arg7[%swap3A_180, %swap3A_181] {strides = array<i32>} : memref<128x128xf32, #tpu.memory_space<vmem>>, vector<1x16xf32>,
      %swap3A_183 = vector.shape_cast %swap3A_182 : vector<1x16xf32> to vector<16xf32>
      %swap3A_184 = vector.shape_cast %add3A_179 : vector<16xf32> to vector<1x16xf32>
      tpu.vector_store %arg7[%swap3A_180, %swap3A_181], %swap3A_184 {strides = array<i32>} : memref<128x128xf32, #tpu.memory_space<vmem>>, vector<1x16xf32>,
      %get3A_185 = arith.index_cast %scan3A_115 : i32 to index
      %get3A_186 = arith.constant 80 : index
      %get3A_187 = tpu.vector_load %arg7[%get3A_185, %get3A_186] {strides = array<i32>} : memref<128x128xf32, #tpu.memory_space<vmem>>, vector<1x16xf32>,
      %get3A_188 = vector.shape_cast %get3A_187 : vector<1x16xf32> to vector<16xf32>
      %get3A_189 = arith.index_cast %scan3A_115 : i32 to index
      %get3A_190 = arith.constant 80 : index
      %get3A_191 = tpu.vector_load %arg8[%get3A_189, %get3A_190] {strides = array<i32>} : memref<128x128xf32, #tpu.memory_space<vmem>>, vector<1x16xf32>,
      %get3A_192 = vector.shape_cast %get3A_191 : vector<1x16xf32> to vector<16xf32>
      %add3A_193 = arith.addf %get3A_188, %get3A_192 : vector<16xf32>
      %swap3A_194 = arith.index_cast %scan3A_115 : i32 to index
      %swap3A_195 = arith.constant 80 : index
      %swap3A_196 = tpu.vector_load %arg7[%swap3A_194, %swap3A_195] {strides = array<i32>} : memref<128x128xf32, #tpu.memory_space<vmem>>, vector<1x16xf32>,
      %swap3A_197 = vector.shape_cast %swap3A_196 : vector<1x16xf32> to vector<16xf32>
      %swap3A_198 = vector.shape_cast %add3A_193 : vector<16xf32> to vector<1x16xf32>
      tpu.vector_store %arg7[%swap3A_194, %swap3A_195], %swap3A_198 {strides = array<i32>} : memref<128x128xf32, #tpu.memory_space<vmem>>, vector<1x16xf32>,
      %get3A_199 = arith.index_cast %scan3A_115 : i32 to index
      %get3A_200 = arith.constant 96 : index
      %get3A_201 = tpu.vector_load %arg7[%get3A_199, %get3A_200] {strides = array<i32>} : memref<128x128xf32, #tpu.memory_space<vmem>>, vector<1x16xf32>,
      %get3A_202 = vector.shape_cast %get3A_201 : vector<1x16xf32> to vector<16xf32>
      %get3A_203 = arith.index_cast %scan3A_115 : i32 to index
      %get3A_204 = arith.constant 96 : index
      %get3A_205 = tpu.vector_load %arg8[%get3A_203, %get3A_204] {strides = array<i32>} : memref<128x128xf32, #tpu.memory_space<vmem>>, vector<1x16xf32>,
      %get3A_206 = vector.shape_cast %get3A_205 : vector<1x16xf32> to vector<16xf32>
      %add3A_207 = arith.addf %get3A_202, %get3A_206 : vector<16xf32>
      %swap3A_208 = arith.index_cast %scan3A_115 : i32 to index
      %swap3A_209 = arith.constant 96 : index
      %swap3A_210 = tpu.vector_load %arg7[%swap3A_208, %swap3A_209] {strides = array<i32>} : memref<128x128xf32, #tpu.memory_space<vmem>>, vector<1x16xf32>,
      %swap3A_211 = vector.shape_cast %swap3A_210 : vector<1x16xf32> to vector<16xf32>
      %swap3A_212 = vector.shape_cast %add3A_207 : vector<16xf32> to vector<1x16xf32>
      tpu.vector_store %arg7[%swap3A_208, %swap3A_209], %swap3A_212 {strides = array<i32>} : memref<128x128xf32, #tpu.memory_space<vmem>>, vector<1x16xf32>,
      %get3A_213 = arith.index_cast %scan3A_115 : i32 to index
      %get3A_214 = arith.constant 112 : index
      %get3A_215 = tpu.vector_load %arg7[%get3A_213, %get3A_214] {strides = array<i32>} : memref<128x128xf32, #tpu.memory_space<vmem>>, vector<1x16xf32>,
      %get3A_216 = vector.shape_cast %get3A_215 : vector<1x16xf32> to vector<16xf32>
      %get3A_217 = arith.index_cast %scan3A_115 : i32 to index
      %get3A_218 = arith.constant 112 : index
      %get3A_219 = tpu.vector_load %arg8[%get3A_217, %get3A_218] {strides = array<i32>} : memref<128x128xf32, #tpu.memory_space<vmem>>, vector<1x16xf32>,
      %get3A_220 = vector.shape_cast %get3A_219 : vector<1x16xf32> to vector<16xf32>
      %add3A_221 = arith.addf %get3A_216, %get3A_220 : vector<16xf32>
      %swap3A_222 = arith.index_cast %scan3A_115 : i32 to index
      %swap3A_223 = arith.constant 112 : index
      %swap3A_224 = tpu.vector_load %arg7[%swap3A_222, %swap3A_223] {strides = array<i32>} : memref<128x128xf32, #tpu.memory_space<vmem>>, vector<1x16xf32>,
      %swap3A_225 = vector.shape_cast %swap3A_224 : vector<1x16xf32> to vector<16xf32>
      %swap3A_226 = vector.shape_cast %add3A_221 : vector<16xf32> to vector<1x16xf32>
      tpu.vector_store %arg7[%swap3A_222, %swap3A_223], %swap3A_226 {strides = array<i32>} : memref<128x128xf32, #tpu.memory_space<vmem>>, vector<1x16xf32>,
      %scan3A_227 = arith.constant 0 : i32
      scf.yield %scan3A_227 : i32
    }
    %scan3A_83 = arith.constant 128 : i32
    %mul3A_84 = arith.constant 128 : i32
    %mul3A_85 = arith.muli %add3A_58, %mul3A_84 : i32
    "tpu.region"() ({
      %run_scoped3A = tpu.sem_alloc : memref<!tpu.dma_semaphore, #tpu.memory_space<semaphore_mem>>
      %dma_start3A_115 = arith.constant 0 : i32
      %dma_start3A_116 = tpu.memref_slice %arg5[%mul3A_85, %dma_start3A_115] : memref<16384x128xf32, #tpu.memory_space<hbm>> -> memref<128x128xf32, #tpu.memory_space<hbm>>
      %dma_start3A_117 = arith.constant 0 : i32
      %dma_start3A_118 = tpu.memref_slice %arg5[%mul3A_85, %dma_start3A_117] : memref<16384x128xf32, #tpu.memory_space<hbm>> -> memref<128x128xf32, #tpu.memory_space<hbm>>
      tpu.enqueue_dma source(%arg7 : memref<128x128xf32, #tpu.memory_space<vmem>>) target(%dma_start3A_118 : memref<128x128xf32, #tpu.memory_space<hbm>>) target_semaphore(%run_scoped3A : memref<!tpu.dma_semaphore, #tpu.memory_space<semaphore_mem>>)
      %dma_wait3A_119 = arith.constant 0 : i32
      %dma_wait3A_120 = tpu.memref_slice %arg5[%mul3A_85, %dma_wait3A_119] : memref<16384x128xf32, #tpu.memory_space<hbm>> -> memref<128x128xf32, #tpu.memory_space<hbm>>
      %dma_wait3A_121 = arith.constant 0 : i32
      %dma_wait3A_122 = tpu.memref_slice %arg5[%mul3A_85, %dma_wait3A_121] : memref<16384x128xf32, #tpu.memory_space<hbm>> -> memref<128x128xf32, #tpu.memory_space<hbm>>
      tpu.wait_dma2 semaphore(%run_scoped3A : memref<!tpu.dma_semaphore, #tpu.memory_space<semaphore_mem>>) src(%arg7 : memref<128x128xf32, #tpu.memory_space<vmem>>) dst(%dma_wait3A_122 : memref<128x128xf32, #tpu.memory_space<hbm>>)
      tpu.yield
    }) : () -> ()
    %add3A_86 = arith.constant 3 : i32
    %add3A_87 = arith.addi %mul3A_2, %add3A_86 : i32
    %rem3A_88 = arith.constant 32 : i32
    %rem3A_89 = arith.remsi %add3A_87, %rem3A_88 : i32
    %dma_start3A_90 = arith.constant 3 : i32
    %dma_start3A_91 = arith.constant 0 : i32
    %dma_start3A_92 = tpu.memref_slice %arg6[%dma_start3A_90, %dma_start3A_91] : memref<4x128xi32, #tpu.memory_space<vmem>> -> memref<1x128xi32, #tpu.memory_space<vmem>>
    %dma_start3A_93 = tpu.memref_squeeze %dma_start3A_92 : memref<1x128xi32, #tpu.memory_space<vmem>> -> memref<128xi32, #tpu.memory_space<vmem>>
    %dma_start3A_94 = arith.constant 0 : i32
    %dma_start3A_95 = arith.constant 0 : i32
    %dma_start3A_96 = tpu.memref_slice %arg2[%dma_start3A_94, %dma_start3A_95] : memref<1000000x128xf32, #tpu.memory_space<hbm>> -> memref<1000000x128xf32, #tpu.memory_space<hbm>>
    tpu.enqueue_indirect_dma source(%dma_start3A_96 : memref<1000000x128xf32, #tpu.memory_space<hbm>>) target(%arg7 : memref<128x128xf32, #tpu.memory_space<vmem>>) offsets(%dma_start3A_93 : memref<128xi32, #tpu.memory_space<vmem>>) semaphore(%arg9 : memref<!tpu.dma_semaphore, #tpu.memory_space<semaphore_mem>>)
    %dma_wait3A_97 = arith.constant 3 : i32
    %dma_wait3A_98 = arith.constant 0 : i32
    %dma_wait3A_99 = tpu.memref_slice %arg6[%dma_wait3A_97, %dma_wait3A_98] : memref<4x128xi32, #tpu.memory_space<vmem>> -> memref<1x128xi32, #tpu.memory_space<vmem>>
    %dma_wait3A_100 = tpu.memref_squeeze %dma_wait3A_99 : memref<1x128xi32, #tpu.memory_space<vmem>> -> memref<128xi32, #tpu.memory_space<vmem>>
    %dma_wait3A_101 = arith.constant 0 : i32
    %dma_wait3A_102 = arith.constant 0 : i32
    %dma_wait3A_103 = tpu.memref_slice %arg2[%dma_wait3A_101, %dma_wait3A_102] : memref<1000000x128xf32, #tpu.memory_space<hbm>> -> memref<1000000x128xf32, #tpu.memory_space<hbm>>
    tpu.wait_indirect_dma semaphore(%arg9 : memref<!tpu.dma_semaphore, #tpu.memory_space<semaphore_mem>>) src(%dma_wait3A_103 : memref<1000000x128xf32, #tpu.memory_space<hbm>>) dst(%arg7 : memref<128x128xf32, #tpu.memory_space<vmem>>)
    %mul3A_104 = arith.constant 128 : i32
    %mul3A_105 = arith.muli %rem3A_89, %mul3A_104 : i32
    "tpu.region"() ({
      %run_scoped3A = tpu.sem_alloc : memref<!tpu.dma_semaphore, #tpu.memory_space<semaphore_mem>>
      %dma_start3A_115 = arith.constant 0 : i32
      %dma_start3A_116 = tpu.memref_slice %arg4[%mul3A_105, %dma_start3A_115] : memref<4096x128xf32, #tpu.memory_space<hbm>> -> memref<128x128xf32, #tpu.memory_space<hbm>>
      %dma_start3A_117 = arith.constant 0 : i32
      %dma_start3A_118 = tpu.memref_slice %arg4[%mul3A_105, %dma_start3A_117] : memref<4096x128xf32, #tpu.memory_space<hbm>> -> memref<128x128xf32, #tpu.memory_space<hbm>>
      tpu.enqueue_dma source(%dma_start3A_118 : memref<128x128xf32, #tpu.memory_space<hbm>>) target(%arg8 : memref<128x128xf32, #tpu.memory_space<vmem>>) target_semaphore(%run_scoped3A : memref<!tpu.dma_semaphore, #tpu.memory_space<semaphore_mem>>)
      %dma_wait3A_119 = arith.constant 0 : i32
      %dma_wait3A_120 = tpu.memref_slice %arg4[%mul3A_105, %dma_wait3A_119] : memref<4096x128xf32, #tpu.memory_space<hbm>> -> memref<128x128xf32, #tpu.memory_space<hbm>>
      %dma_wait3A_121 = arith.constant 0 : i32
      %dma_wait3A_122 = tpu.memref_slice %arg4[%mul3A_105, %dma_wait3A_121] : memref<4096x128xf32, #tpu.memory_space<hbm>> -> memref<128x128xf32, #tpu.memory_space<hbm>>
      tpu.wait_dma2 semaphore(%run_scoped3A : memref<!tpu.dma_semaphore, #tpu.memory_space<semaphore_mem>>) src(%dma_wait3A_122 : memref<128x128xf32, #tpu.memory_space<hbm>>) dst(%arg8 : memref<128x128xf32, #tpu.memory_space<vmem>>)
      tpu.yield
    }) : () -> ()
    %scan3A_106 = arith.constant 0 : i32
    %scan3A_107 = arith.constant 0 : i32
    %scan3A_108 = arith.constant 128 : i32
    %scan3A_109 = arith.addi %scan3A_107, %scan3A_108 : i32
    %scan3A_110 = arith.constant 1 : i32
    %scan3A_111 = scf.for %scan3A_115 = %scan3A_107 to %scan3A_109 step %scan3A_110 iter_args(%scan3A_116 = %scan3A_106) -> (i32)  : i32 {
      %get3A = arith.index_cast %scan3A_115 : i32 to index
      %get3A_117 = arith.constant 0 : index
      %get3A_118 = tpu.vector_load %arg7[%get3A, %get3A_117] {strides = array<i32>} : memref<128x128xf32, #tpu.memory_space<vmem>>, vector<1x16xf32>,
      %get3A_119 = vector.shape_cast %get3A_118 : vector<1x16xf32> to vector<16xf32>
      %get3A_120 = arith.index_cast %scan3A_115 : i32 to index
      %get3A_121 = arith.constant 0 : index
      %get3A_122 = tpu.vector_load %arg8[%get3A_120, %get3A_121] {strides = array<i32>} : memref<128x128xf32, #tpu.memory_space<vmem>>, vector<1x16xf32>,
      %get3A_123 = vector.shape_cast %get3A_122 : vector<1x16xf32> to vector<16xf32>
      %add3A_124 = arith.addf %get3A_119, %get3A_123 : vector<16xf32>
      %swap3A = arith.index_cast %scan3A_115 : i32 to index
      %swap3A_125 = arith.constant 0 : index
      %swap3A_126 = tpu.vector_load %arg7[%swap3A, %swap3A_125] {strides = array<i32>} : memref<128x128xf32, #tpu.memory_space<vmem>>, vector<1x16xf32>,
      %swap3A_127 = vector.shape_cast %swap3A_126 : vector<1x16xf32> to vector<16xf32>
      %swap3A_128 = vector.shape_cast %add3A_124 : vector<16xf32> to vector<1x16xf32>
      tpu.vector_store %arg7[%swap3A, %swap3A_125], %swap3A_128 {strides = array<i32>} : memref<128x128xf32, #tpu.memory_space<vmem>>, vector<1x16xf32>,
      %get3A_129 = arith.index_cast %scan3A_115 : i32 to index
      %get3A_130 = arith.constant 16 : index
      %get3A_131 = tpu.vector_load %arg7[%get3A_129, %get3A_130] {strides = array<i32>} : memref<128x128xf32, #tpu.memory_space<vmem>>, vector<1x16xf32>,
      %get3A_132 = vector.shape_cast %get3A_131 : vector<1x16xf32> to vector<16xf32>
      %get3A_133 = arith.index_cast %scan3A_115 : i32 to index
      %get3A_134 = arith.constant 16 : index
      %get3A_135 = tpu.vector_load %arg8[%get3A_133, %get3A_134] {strides = array<i32>} : memref<128x128xf32, #tpu.memory_space<vmem>>, vector<1x16xf32>,
      %get3A_136 = vector.shape_cast %get3A_135 : vector<1x16xf32> to vector<16xf32>
      %add3A_137 = arith.addf %get3A_132, %get3A_136 : vector<16xf32>
      %swap3A_138 = arith.index_cast %scan3A_115 : i32 to index
      %swap3A_139 = arith.constant 16 : index
      %swap3A_140 = tpu.vector_load %arg7[%swap3A_138, %swap3A_139] {strides = array<i32>} : memref<128x128xf32, #tpu.memory_space<vmem>>, vector<1x16xf32>,
      %swap3A_141 = vector.shape_cast %swap3A_140 : vector<1x16xf32> to vector<16xf32>
      %swap3A_142 = vector.shape_cast %add3A_137 : vector<16xf32> to vector<1x16xf32>
      tpu.vector_store %arg7[%swap3A_138, %swap3A_139], %swap3A_142 {strides = array<i32>} : memref<128x128xf32, #tpu.memory_space<vmem>>, vector<1x16xf32>,
      %get3A_143 = arith.index_cast %scan3A_115 : i32 to index
      %get3A_144 = arith.constant 32 : index
      %get3A_145 = tpu.vector_load %arg7[%get3A_143, %get3A_144] {strides = array<i32>} : memref<128x128xf32, #tpu.memory_space<vmem>>, vector<1x16xf32>,
      %get3A_146 = vector.shape_cast %get3A_145 : vector<1x16xf32> to vector<16xf32>
      %get3A_147 = arith.index_cast %scan3A_115 : i32 to index
      %get3A_148 = arith.constant 32 : index
      %get3A_149 = tpu.vector_load %arg8[%get3A_147, %get3A_148] {strides = array<i32>} : memref<128x128xf32, #tpu.memory_space<vmem>>, vector<1x16xf32>,
      %get3A_150 = vector.shape_cast %get3A_149 : vector<1x16xf32> to vector<16xf32>
      %add3A_151 = arith.addf %get3A_146, %get3A_150 : vector<16xf32>
      %swap3A_152 = arith.index_cast %scan3A_115 : i32 to index
      %swap3A_153 = arith.constant 32 : index
      %swap3A_154 = tpu.vector_load %arg7[%swap3A_152, %swap3A_153] {strides = array<i32>} : memref<128x128xf32, #tpu.memory_space<vmem>>, vector<1x16xf32>,
      %swap3A_155 = vector.shape_cast %swap3A_154 : vector<1x16xf32> to vector<16xf32>
      %swap3A_156 = vector.shape_cast %add3A_151 : vector<16xf32> to vector<1x16xf32>
      tpu.vector_store %arg7[%swap3A_152, %swap3A_153], %swap3A_156 {strides = array<i32>} : memref<128x128xf32, #tpu.memory_space<vmem>>, vector<1x16xf32>,
      %get3A_157 = arith.index_cast %scan3A_115 : i32 to index
      %get3A_158 = arith.constant 48 : index
      %get3A_159 = tpu.vector_load %arg7[%get3A_157, %get3A_158] {strides = array<i32>} : memref<128x128xf32, #tpu.memory_space<vmem>>, vector<1x16xf32>,
      %get3A_160 = vector.shape_cast %get3A_159 : vector<1x16xf32> to vector<16xf32>
      %get3A_161 = arith.index_cast %scan3A_115 : i32 to index
      %get3A_162 = arith.constant 48 : index
      %get3A_163 = tpu.vector_load %arg8[%get3A_161, %get3A_162] {strides = array<i32>} : memref<128x128xf32, #tpu.memory_space<vmem>>, vector<1x16xf32>,
      %get3A_164 = vector.shape_cast %get3A_163 : vector<1x16xf32> to vector<16xf32>
      %add3A_165 = arith.addf %get3A_160, %get3A_164 : vector<16xf32>
      %swap3A_166 = arith.index_cast %scan3A_115 : i32 to index
      %swap3A_167 = arith.constant 48 : index
      %swap3A_168 = tpu.vector_load %arg7[%swap3A_166, %swap3A_167] {strides = array<i32>} : memref<128x128xf32, #tpu.memory_space<vmem>>, vector<1x16xf32>,
      %swap3A_169 = vector.shape_cast %swap3A_168 : vector<1x16xf32> to vector<16xf32>
      %swap3A_170 = vector.shape_cast %add3A_165 : vector<16xf32> to vector<1x16xf32>
      tpu.vector_store %arg7[%swap3A_166, %swap3A_167], %swap3A_170 {strides = array<i32>} : memref<128x128xf32, #tpu.memory_space<vmem>>, vector<1x16xf32>,
      %get3A_171 = arith.index_cast %scan3A_115 : i32 to index
      %get3A_172 = arith.constant 64 : index
      %get3A_173 = tpu.vector_load %arg7[%get3A_171, %get3A_172] {strides = array<i32>} : memref<128x128xf32, #tpu.memory_space<vmem>>, vector<1x16xf32>,
      %get3A_174 = vector.shape_cast %get3A_173 : vector<1x16xf32> to vector<16xf32>
      %get3A_175 = arith.index_cast %scan3A_115 : i32 to index
      %get3A_176 = arith.constant 64 : index
      %get3A_177 = tpu.vector_load %arg8[%get3A_175, %get3A_176] {strides = array<i32>} : memref<128x128xf32, #tpu.memory_space<vmem>>, vector<1x16xf32>,
      %get3A_178 = vector.shape_cast %get3A_177 : vector<1x16xf32> to vector<16xf32>
      %add3A_179 = arith.addf %get3A_174, %get3A_178 : vector<16xf32>
      %swap3A_180 = arith.index_cast %scan3A_115 : i32 to index
      %swap3A_181 = arith.constant 64 : index
      %swap3A_182 = tpu.vector_load %arg7[%swap3A_180, %swap3A_181] {strides = array<i32>} : memref<128x128xf32, #tpu.memory_space<vmem>>, vector<1x16xf32>,
      %swap3A_183 = vector.shape_cast %swap3A_182 : vector<1x16xf32> to vector<16xf32>
      %swap3A_184 = vector.shape_cast %add3A_179 : vector<16xf32> to vector<1x16xf32>
      tpu.vector_store %arg7[%swap3A_180, %swap3A_181], %swap3A_184 {strides = array<i32>} : memref<128x128xf32, #tpu.memory_space<vmem>>, vector<1x16xf32>,
      %get3A_185 = arith.index_cast %scan3A_115 : i32 to index
      %get3A_186 = arith.constant 80 : index
      %get3A_187 = tpu.vector_load %arg7[%get3A_185, %get3A_186] {strides = array<i32>} : memref<128x128xf32, #tpu.memory_space<vmem>>, vector<1x16xf32>,
      %get3A_188 = vector.shape_cast %get3A_187 : vector<1x16xf32> to vector<16xf32>
      %get3A_189 = arith.index_cast %scan3A_115 : i32 to index
      %get3A_190 = arith.constant 80 : index
      %get3A_191 = tpu.vector_load %arg8[%get3A_189, %get3A_190] {strides = array<i32>} : memref<128x128xf32, #tpu.memory_space<vmem>>, vector<1x16xf32>,
      %get3A_192 = vector.shape_cast %get3A_191 : vector<1x16xf32> to vector<16xf32>
      %add3A_193 = arith.addf %get3A_188, %get3A_192 : vector<16xf32>
      %swap3A_194 = arith.index_cast %scan3A_115 : i32 to index
      %swap3A_195 = arith.constant 80 : index
      %swap3A_196 = tpu.vector_load %arg7[%swap3A_194, %swap3A_195] {strides = array<i32>} : memref<128x128xf32, #tpu.memory_space<vmem>>, vector<1x16xf32>,
      %swap3A_197 = vector.shape_cast %swap3A_196 : vector<1x16xf32> to vector<16xf32>
      %swap3A_198 = vector.shape_cast %add3A_193 : vector<16xf32> to vector<1x16xf32>
      tpu.vector_store %arg7[%swap3A_194, %swap3A_195], %swap3A_198 {strides = array<i32>} : memref<128x128xf32, #tpu.memory_space<vmem>>, vector<1x16xf32>,
      %get3A_199 = arith.index_cast %scan3A_115 : i32 to index
      %get3A_200 = arith.constant 96 : index
      %get3A_201 = tpu.vector_load %arg7[%get3A_199, %get3A_200] {strides = array<i32>} : memref<128x128xf32, #tpu.memory_space<vmem>>, vector<1x16xf32>,
      %get3A_202 = vector.shape_cast %get3A_201 : vector<1x16xf32> to vector<16xf32>
      %get3A_203 = arith.index_cast %scan3A_115 : i32 to index
      %get3A_204 = arith.constant 96 : index
      %get3A_205 = tpu.vector_load %arg8[%get3A_203, %get3A_204] {strides = array<i32>} : memref<128x128xf32, #tpu.memory_space<vmem>>, vector<1x16xf32>,
      %get3A_206 = vector.shape_cast %get3A_205 : vector<1x16xf32> to vector<16xf32>
      %add3A_207 = arith.addf %get3A_202, %get3A_206 : vector<16xf32>
      %swap3A_208 = arith.index_cast %scan3A_115 : i32 to index
      %swap3A_209 = arith.constant 96 : index
      %swap3A_210 = tpu.vector_load %arg7[%swap3A_208, %swap3A_209] {strides = array<i32>} : memref<128x128xf32, #tpu.memory_space<vmem>>, vector<1x16xf32>,
      %swap3A_211 = vector.shape_cast %swap3A_210 : vector<1x16xf32> to vector<16xf32>
      %swap3A_212 = vector.shape_cast %add3A_207 : vector<16xf32> to vector<1x16xf32>
      tpu.vector_store %arg7[%swap3A_208, %swap3A_209], %swap3A_212 {strides = array<i32>} : memref<128x128xf32, #tpu.memory_space<vmem>>, vector<1x16xf32>,
      %get3A_213 = arith.index_cast %scan3A_115 : i32 to index
      %get3A_214 = arith.constant 112 : index
      %get3A_215 = tpu.vector_load %arg7[%get3A_213, %get3A_214] {strides = array<i32>} : memref<128x128xf32, #tpu.memory_space<vmem>>, vector<1x16xf32>,
      %get3A_216 = vector.shape_cast %get3A_215 : vector<1x16xf32> to vector<16xf32>
      %get3A_217 = arith.index_cast %scan3A_115 : i32 to index
      %get3A_218 = arith.constant 112 : index
      %get3A_219 = tpu.vector_load %arg8[%get3A_217, %get3A_218] {strides = array<i32>} : memref<128x128xf32, #tpu.memory_space<vmem>>, vector<1x16xf32>,
      %get3A_220 = vector.shape_cast %get3A_219 : vector<1x16xf32> to vector<16xf32>
      %add3A_221 = arith.addf %get3A_216, %get3A_220 : vector<16xf32>
      %swap3A_222 = arith.index_cast %scan3A_115 : i32 to index
      %swap3A_223 = arith.constant 112 : index
      %swap3A_224 = tpu.vector_load %arg7[%swap3A_222, %swap3A_223] {strides = array<i32>} : memref<128x128xf32, #tpu.memory_space<vmem>>, vector<1x16xf32>,
      %swap3A_225 = vector.shape_cast %swap3A_224 : vector<1x16xf32> to vector<16xf32>
      %swap3A_226 = vector.shape_cast %add3A_221 : vector<16xf32> to vector<1x16xf32>
      tpu.vector_store %arg7[%swap3A_222, %swap3A_223], %swap3A_226 {strides = array<i32>} : memref<128x128xf32, #tpu.memory_space<vmem>>, vector<1x16xf32>,
      %scan3A_227 = arith.constant 0 : i32
      scf.yield %scan3A_227 : i32
    }
    %scan3A_112 = arith.constant 128 : i32
    %mul3A_113 = arith.constant 128 : i32
    %mul3A_114 = arith.muli %add3A_87, %mul3A_113 : i32
    "tpu.region"() ({
      %run_scoped3A = tpu.sem_alloc : memref<!tpu.dma_semaphore, #tpu.memory_space<semaphore_mem>>
      %dma_start3A_115 = arith.constant 0 : i32
      %dma_start3A_116 = tpu.memref_slice %arg5[%mul3A_114, %dma_start3A_115] : memref<16384x128xf32, #tpu.memory_space<hbm>> -> memref<128x128xf32, #tpu.memory_space<hbm>>
      %dma_start3A_117 = arith.constant 0 : i32
      %dma_start3A_118 = tpu.memref_slice %arg5[%mul3A_114, %dma_start3A_117] : memref<16384x128xf32, #tpu.memory_space<hbm>> -> memref<128x128xf32, #tpu.memory_space<hbm>>
      tpu.enqueue_dma source(%arg7 : memref<128x128xf32, #tpu.memory_space<vmem>>) target(%dma_start3A_118 : memref<128x128xf32, #tpu.memory_space<hbm>>) target_semaphore(%run_scoped3A : memref<!tpu.dma_semaphore, #tpu.memory_space<semaphore_mem>>)
      %dma_wait3A_119 = arith.constant 0 : i32
      %dma_wait3A_120 = tpu.memref_slice %arg5[%mul3A_114, %dma_wait3A_119] : memref<16384x128xf32, #tpu.memory_space<hbm>> -> memref<128x128xf32, #tpu.memory_space<hbm>>
      %dma_wait3A_121 = arith.constant 0 : i32
      %dma_wait3A_122 = tpu.memref_slice %arg5[%mul3A_114, %dma_wait3A_121] : memref<16384x128xf32, #tpu.memory_space<hbm>> -> memref<128x128xf32, #tpu.memory_space<hbm>>
      tpu.wait_dma2 semaphore(%run_scoped3A : memref<!tpu.dma_semaphore, #tpu.memory_space<semaphore_mem>>) src(%arg7 : memref<128x128xf32, #tpu.memory_space<vmem>>) dst(%dma_wait3A_122 : memref<128x128xf32, #tpu.memory_space<hbm>>)
      tpu.yield
    }) : () -> ()
    return
  }
}

</mosaic_0001>

<sc_bundles>
// kernel: _gather_add_pe.3.cloned.1.call-start
scs
__scs_entry_jumppad:
0x0: {  	(pc) =	sbr.rel $0x88, $3  }
0x1: {  	(tag) =	ssettag $0x0;
	lr =	simm.s32 $0x1  }
0x2: {  	[smem:$0x3F9E] =	sst lr;
	_ =	strace $0xD0000000  }
0x3: {  	_ = 	snop  }
0x4: {  	_ = 	snop  }
0x5: {  	_ = 	snop  }
0x6: {  	_ = 	snop  }
0x7: {  	_ = 	snop  }
__scs_overlays_trampoline_lowered:
0x8: {  	[smem:$0x3FAD] =	sst s0  }
0x9: {  	[smem:$0x3FAE] =	sst s1  }
0xa: {  	[smem:$0x3FAF] =	sst s2  }
0xb: {  	[smem:$0x3FB0] =	sst s3  }
0xc: {  	[smem:$0x3FB1] =	sst s4  }
0xd: {  	[smem:$0x3FB2] =	sst s5  }
0xe: {  	[smem:$0x3FB3] =	sst s6  }
0xf: {  	[smem:$0x3FB4] =	sst s7  }
0x10: {  	[smem:$0x3FB5] =	sst s8  }
0x11: {  	[smem:$0x3FB6] =	sst s9;
	s0 =	simm.s32 @!p0 $0x0  }
0x12: {  	s1 =	sld [smem:$0x3F9C];
	s0 =	simm.s32 @p0 $0x1  }
0x13: {  	[smem:$0x3FB7] =	sst s0;
	s0 =	simm.s32 @!p1 $0x0  }
0x14: {  	s2 =	sld [smem:$0x3F9B];
	s0 =	simm.s32 @p1 $0x1  }
0x15: {  	[smem:$0x3FB8] =	sst s0;
	s0 =	simm.s32 @!p2 $0x0  }
0x16: {  	s3 =	sld [smem:$0x3FDB];
	s0 =	simm.s32 @p2 $0x1  }
0x17: {  	s4 =	simm.s32 $0x1BF5;
	[smem:$0x3FBA] =	sst s0  }
0x18: {  	s0 =	sld [smem:$0x3F9D];
	_ =	swait.ge [sflag:s4], $0x0  }
0x19: {  	s7 =	sld [smem:$0x3F9E]  }
0x1a: {  	s8 =	sadd.s32 $0xFFFFE003, lr  }
0x1b: {  	s9 =	sadd.s32 $0xFFFFFEF7, lr;
	s5 =	simm.s32 $0xFFFFFFFF;
	p2 =	slt.u32 s8, $0xFFFFF086  }
0x1c: {  	p1 =	slt.u32 s9, $0xF7A;
	s5 =	simm.s32 @!p2 $0x0  }
0x1d: {  	s5 =	simm.s32 @p1 $0x1;
	p0 =	seq.s32 s7, s2  }
0x1e: {  	s7 =	smul.u32 @!p0 $0xF7A, s2;
	p2 =	seq.s32 @!p0 s5, $0x0  }
0x1f: {  	s9 =	smul.u32 $0xF7A, s1;
	s8 =	simm.s32 @!p0 $0x1BF5;
	p2 =	por !p2, p0  }
0x20: {  	[sflag:s8] =	ssyncset.s32 @!p0 $0xFFFFF086;
	s6 =	sadd.s32 @!p0 s3, s7;
	s7 =	simm.s32 @!p0 $0x108  }
0x21: {  	s3 =	sadd.s32 s3, s9;
	s6 =	sadd.s32 @!p0 $0x88, s6;
	s7 =	simm.s32 @p2 $0x1082  }
0x22: {  	[simem:s7], [sflag:s8] =	dma.local @!p0 [hbm:s6], $0xF7A  }
0x23: {  	s9 =	sor.u32 $0xD0000000, s2;
	s6 =	simm.s32 $0x108;
	_ =	swait.ge @!p0 [sflag:s8], $0x0  }
0x24: {  	s3 =	sadd.s32 $0x88, s3;
	s6 =	simm.s32 @!p1 $0x1082;
	[sflag:s4] =	ssyncset.s32 $0xFFFFF086  }
0x25: {  	[simem:s6], [sflag:s4] =	dma.local [hbm:s3], $0xF7A  }
0x26: {  	[smem:$0x3F9E] =	sst s1;
	(tag) =	ssettag s2;
	_ =	strace s9  }
0x27: {  	s1 =	sld [smem:$0x3FAE]  }
0x28: {  	s2 =	sld [smem:$0x3FAF]  }
0x29: {  	s4 =	sld [smem:$0x3FB1]  }
0x2a: {  	p0 =	seq.s32 s5, $0x0;
	s5 =	sld [smem:$0x3FB2]  }
0x2b: {  	s6 =	sld [smem:$0x3FB3]  }
0x2c: {  	s7 =	sld [smem:$0x3FB4]  }
0x2d: {  	s3 =	simm.s32 $0x108;
	s8 =	sld [smem:$0x3FB5]  }
0x2e: {  	s3 =	simm.s32 @!p0 $0x1082;
	s9 =	sld [smem:$0x3FB6]  }
0x2f: {  	lr =	sadd.s32 s0, s3;
	s0 =	sld [smem:$0x3FAD]  }
0x30: {  	s3 =	sld [smem:$0x3FB0]  }
0x31: {  	[smem:$0x3FB9] =	sst s10  }
0x32: {  	s10 =	sld [smem:$0x3FB7];
	_ =	sdelay $0x3  }
0x33: {  	p0 =	seq.s32 s10, $0x1;
	s10 =	sld [smem:$0x3FB9];
	_ =	sdelay $0x3  }
0x34: {  	[smem:$0x3FB9] =	sst s10  }
0x35: {  	s10 =	sld [smem:$0x3FB8];
	_ =	sdelay $0x3  }
0x36: {  	p1 =	seq.s32 s10, $0x1;
	s10 =	sld [smem:$0x3FB9];
	_ =	sdelay $0x3  }
0x37: {  	[smem:$0x3FB9] =	sst s10  }
0x38: {  	s10 =	sld [smem:$0x3FBA]  }
0x39: {  	_ = 	snop;
	(pc) =	sbr.ind lr, $3  }
0x3a: {  	_ = 	snop  }
0x3b: {  	_ = 	snop  }
0x3c: {  	p2 =	seq.s32 s10, $0x1;
	s10 =	sld [smem:$0x3FB9]  }
0x3d: {  	_ =	shalt  }
0x3e: {  	_ =	shalt  }
0x3f: {  	_ =	shalt  }
0x40: {  	_ =	shalt  }
0x41: {  	_ =	shalt  }
0x42: {  	_ =	shalt  }
0x43: {  	_ =	shalt  }
0x44: {  	_ =	shalt  }
0x45: {  	_ =	shalt  }
0x46: {  	_ =	shalt  }
0x47: {  	_ =	shalt  }
0x48: {  	_ =	shalt  }
0x49: {  	_ =	shalt  }
0x4a: {  	_ =	shalt  }
0x4b: {  	_ =	shalt  }
0x4c: {  	_ =	shalt  }
0x4d: {  	_ =	shalt  }
0x4e: {  	_ =	shalt  }
0x4f: {  	_ =	shalt  }
0x50: {  	_ =	shalt  }
0x51: {  	_ =	shalt  }
0x52: {  	_ =	shalt  }
0x53: {  	_ =	shalt  }
0x54: {  	_ =	shalt  }
0x55: {  	_ =	shalt  }
0x56: {  	_ =	shalt  }
0x57: {  	_ =	shalt  }
0x58: {  	_ =	shalt  }
0x59: {  	_ =	shalt  }
0x5a: {  	_ =	shalt  }
0x5b: {  	_ =	shalt  }
0x5c: {  	_ =	shalt  }
0x5d: {  	_ =	shalt  }
0x5e: {  	_ =	shalt  }
0x5f: {  	_ =	shalt  }
0x60: {  	_ =	shalt  }
0x61: {  	_ =	shalt  }
0x62: {  	_ =	shalt  }
0x63: {  	_ =	shalt  }
0x64: {  	_ =	shalt  }
0x65: {  	_ =	shalt  }
0x66: {  	_ =	shalt  }
0x67: {  	_ =	shalt  }
0x68: {  	_ =	shalt  }
0x69: {  	_ =	shalt  }
0x6a: {  	_ =	shalt  }
0x6b: {  	_ =	shalt  }
0x6c: {  	_ =	shalt  }
0x6d: {  	_ =	shalt  }
0x6e: {  	_ =	shalt  }
0x6f: {  	_ =	shalt  }
0x70: {  	_ =	shalt  }
0x71: {  	_ =	shalt  }
0x72: {  	_ =	shalt  }
0x73: {  	_ =	shalt  }
0x74: {  	_ =	shalt  }
0x75: {  	_ =	shalt  }
0x76: {  	_ =	shalt  }
0x77: {  	_ =	shalt  }
0x78: {  	_ =	shalt  }
0x79: {  	_ =	shalt  }
0x7a: {  	_ =	shalt  }
0x7b: {  	_ =	shalt  }
0x7c: {  	_ =	shalt  }
0x7d: {  	_ =	shalt  }
0x7e: {  	_ =	shalt  }
0x7f: {  	_ =	shalt  }
0x80: {  	_ =	shalt  }
0x81: {  	_ =	shalt  }
0x82: {  	_ =	shalt  }
0x83: {  	_ =	shalt  }
0x84: {  	_ =	shalt  }
0x85: {  	_ =	shalt  }
0x86: {  	_ =	shalt  }
0x87: {  	_ =	shalt  }
.Lfunc_end0:
.L_simem_size_0:
called_computation_lowered:
.L_overlay_start_0:
0x88: {  	s2 =	sld [smem:$0x3FD9]  }
0x89: {  	s3 =	sld [smem:$0x3FFE];
	_ =	sdelay $0x1  }
0x8a: {  	s1 =	srdreg.scid  }
0x8b: {  	s0 =	sand.u32 $0x1, s1  }
0x8c: {  	s18 =	sshll.u32 s0, $0xA;
	s2 =	sadd.s32 s3, s2  }
0x8d: {  	s2 =	sadd.s32 s2, s18  }
0x8e: {  	[smem:$0x3FC5] =	sst s2  }
0x8f: {  	_ = 	snop  }
0x90: {  	s2 =	sld [smem:$0x3FC9]  }
0x91: {  	s19 =	sld [smem:$0x3FC8]  }
0x92: {  	s4 =	sld [smem:$0x3FC7]  }
0x93: {  	s5 =	sld [smem:$0x3FD0];
	(tm) =	ssettm $0x1  }
0x94: {  	s6 =	sld [smem:$0x3FFB];
	_ =	sdelay $0x3  }
0x95: {  	_ =	strace s6  }
0x96: {  	s6 =	sld [smem:$0x3FFC];
	_ =	sdelay $0x3  }
0x97: {  	_ =	strace s6  }
0x98: {  	s6 =	sld [smem:$0x3FFD];
	_ =	sdelay $0x3  }
0x99: {  	_ =	strace s6  }
0x9a: {  	_ =	strace $0x8FFFFFFF  }
0x9b: {  	s20 =	sld [smem:$0x3FDB];
	_ =	sdelay $0x1  }
0x9c: {  	s7 =	simm.s32 $_scs_section_size  }
0x9d: {  	s8 =	simm.s32 $_size__tile_overlayer_lowered;
	s9 =	simm.s32 $_tile_overlayer_lowered  }
0x9e: {  	s23 =	simm.s32 $0x1BFF;
	s22 =	sshll.u32 s9, $0x1;
	s6 =	sadd.s32 s7, s20  }
0x9f: {  	s10 =	simm.s32 $0x0;
	s21 =	sshll.u32 s8, $0x1;
	s8 =	sadd.s32 s22, s6  }
0xa0: {  	[timem:s10], [sflag:s23] =	dma.local [hbm:s8], s21  }
0xa1: {  	_ =	swait.ge [sflag:s23], s21  }
0xa2: {  	s7 =	ssub.s32 $0x0, s21;
	[sflag:s23] =	ssyncset.done $0x0  }
0xa3: {  	[sflag:s23] =	ssyncadd.s32 s7;
	_ =	sdelay $0x1  }
0xa4: {  	s24 =	simm.s32 $0x1B8B  }
0xa5: {  	_ =	swait.ge [sflag:s24], $0x1  }
0xa6: {  	[sflag:s24] =	ssyncset.done $0x0  }
0xa7: {  	s25 =	simm.s32 $0x1B8E;
	[sflag:s24] =	ssyncadd.s32 $0xFFFFFFFF  }
0xa8: {  	s26 =	simm.s32 $execute0_lowered;
	[smem:$0x3FD2] =	sst s25  }
0xa9: {  	s7 =	sshll.u32 s26, $0x1;
	_ =	strace $0x80000046;
	[dreg:$0x1] =	wrdreg $0xFFFFFFFF  }
0xaa: {  	s28 =	simm.s32 $_size_execute0_lowered;
	s6 =	sadd.s32 s6, s7;
	[dreg:$0x0] =	wrdreg $0x0  }
0xab: {  	s7 =	sshll.u32 s28, $0x1;
	[dreg:$0x2] =	wrdreg s6  }
0xac: {  	[dreg:$0x3] =	wrdreg s7  }
0xad: {  	[dreg:$0x4] =	wrdreg $0xC0  }
0xae: {  	_ =	task [dreg:s10], $0x5FFFF  }
0xaf: {  	[dreg:$0x1] =	wrdreg $0xFFFFFFFF  }
0xb0: {  	[dreg:$0x0] =	wrdreg $0x60  }
0xb1: {  	[dreg:$0x2] =	wrdreg s2  }
0xb2: {  	[dreg:$0x3] =	wrdreg s19  }
0xb3: {  	[dreg:$0x4] =	wrdreg s4  }
0xb4: {  	[dreg:$0x5] =	wrdreg s5  }
0xb5: {  	[dreg:$0x6] =	wrdreg $0x9  }
0xb6: {  	_ =	task.clear_ibuf [dreg:s10], $0x7FFFF;
	_ =	strace $0x90000046  }
0xb7: {  	s29 =	simm.s32 $0x9;
	_ =	strace $0x80000048  }
0xb8: {  	_ =	swait.ge [sflag:s29], $0x1  }
0xb9: {  	[sflag:s29] =	ssyncadd.s32 $0xFFFFFFFF  }
0xba: {  	_ =	strace $0x90000048  }
0xbb: {  	_ =	sfence  }
0xbc: {  	s30 =	sld [smem:$0x0];
	_ =	sdelay $0x2  }
0xbd: {  	s31 =	sshll.u32 s1, $0xD;
	s1 =	sshrl.u32 s1, $0x2  }
0xbe: {  	s3 =	sand.u32 $0x4000, s31;
	s1 =	sadd.s32 s1, s30  }
0xbf: {  	s0 =	sor.u32 s3, s0;
	s1 =	sshll.u32 s1, $0x11  }
0xc0: {  	s0 =	sor.u32 s1, s0  }
0xc1: {  	s0 =	sadd.s32 $0x8F2B, s0  }
0xc2: {  	[sflag:s0] =	ssyncadd.remote.s32 $0x1  }
0xc3: {  	_ =	sfence.sel $0xFFFF  }
0xc4: {  	[dreg:$0x0] =	wrdreg $0xFFFFFFFF;
	(pc) =	sbr.abs _section_cstart, $3  }
0xc5: {  	[dreg:$0x1] =	wrdreg $0xFFFFFFFF  }
0xc6: {  	_ =	task.clear_ibuf [dreg:s10], $0x2FFFF;
	_ =	strace $0x9FFFFFFF  }
0xc7: {  	(tm) =	ssettm $0x7FFFFFFF  }
tec
execute0_lowered:
.L_overlay_start_1:
0x0: {  	(tag) =	ssettag $0x1  }
0x1: {  	s1 =	rddreg [dreg:$0x0]  }
0x2: {  	s4 =	rddreg [dreg:$0x1]  }
0x3: {  	s11 =	rddreg [dreg:$0x2]  }
0x4: {  	s12 =	rddreg [dreg:$0x3]  }
0x5: {  	s0 =	rddreg [dreg:$0x4];
	s2 =	simm.s32 $0x0  }
0x6: {  	s3 =	srdreg.scid;
	s16 =	simm.s32 $0x200;
	s17 =	simm.s32 $0x1  }
0x7: {  	s18 =	simm.s32 $0x4200;
	s19 =	simm.s32 $0x100;
	s20 =	simm.s32 $0x180  }
0x8: {  	s21 =	simm.s32 $0x0;
	[smem:$0x7FF] =	sst s2;
	s5 =	sand.u32 $0x1, s3  }
0x9: {  	s3 =	stileid.u32;
	_ =	strace $0x80000047;
	s6 =	ssub.s32 $0x2, s5  }
0xa: {  	s8 =	sshll.u32 s3, $0xE;
	s9 =	sshll.u32 s5, $0xD;
	s5 =	sshll.u32 s5, $0x6  }
0xb: {  	s28 =	sshll.u32 s3, $0x7;
	s7 =	sshrl.u32 s6, $0x1;
	s8 =	sor.u32 s9, s8  }
0xc: {  	s4 =	sadd.s32 s4, s5;
	s13 =	ssub.s32 s6, s7;
	s29 =	sand.u32 $0xE000, s8  }
0xd: {  	s4 =	sadd.s32 s28, s4;
	s9 =	sor.u32 $0x800, s8;
	s6 =	sadd.s32 s12, s8  }
0xe: {  	s10 =	sor.u32 $0x1000, s8;
	s15 =	sor.u32 $0x1800, s8;
	s5 =	sadd.s32 s11, s29  }
0xf: {  	s30 =	sand.u32 $0xE800, s9;
	s14 =	sand.u32 $0xF000, s10;
	s8 =	sadd.s32 s12, s9  }
0x10: {  	s31 =	sand.u32 $0xF800, s15;
	s10 =	sadd.s32 s12, s10;
	s12 =	sadd.s32 s12, s15  }
0x11: {  	s13 =	smax.u32 s13, $0x1;
	s15 =	simm.s32 $0x80;
	s7 =	sadd.s32 s11, s30  }
0x12: {  	s9 =	sadd.s32 s11, s14;
	s11 =	sadd.s32 s11, s31;
	s14 =	simm.s32 $0x2  }
.LBB2_1:
0x13: {  	[tilespmem:s2], [sflag:$0x2] =	stream.linear.gather [hbm4b:s4+s2], $0x200, $0x38;
	[tilespmem:$0x8200] =	vst v63  }
0x14: {  	_ =	swait.ge [sflag:s14], $0x200  }
0x15: {  	[sflag:s14] =	ssyncset.done $0x0  }
0x16: {  	[sflag:s14] =	ssyncadd.s32 $0xFFFFFE00  }
0x17: {  	[tilespmem:s16], [sflag:$0x1] =	stream.indirect.gather [hbm4b:s1+s15], $0x80, s2, s15, $0xb8;
	[tilespmem:$0x8200] =	vst v63  }
0x18: {  	_ =	swait.ge [sflag:s17], $0x4000  }
0x19: {  	[sflag:s17] =	ssyncset.done $0x0  }
0x1a: {  	[sflag:s17] =	ssyncadd.s32 $0xFFFFC000  }
0x1b: {  	[tilespmem:s18], [sflag:$0x2] =	stream.linear.gather [hbm4b:s5+s2], $0x4000, $0x38;
	[tilespmem:$0x8200] =	vst v63  }
0x1c: {  	_ =	swait.ge [sflag:s14], $0x4000  }
0x1d: {  	[sflag:s14] =	ssyncset.done $0x0  }
0x1e: {  	s22 =	simm.s32 $0x0;
	[sflag:s14] =	ssyncadd.s32 $0xFFFFC000  }
0x1f: {  	v7 =	vld [tilespmem:s22+$0x4200]  }
0x20: {  	v11 =	vld [tilespmem:s22+$0x4210]  }
0x21: {  	v5 =	vld [tilespmem:s22+$0x4220]  }
0x22: {  	v4 =	vld [tilespmem:s22+$0x4230]  }
0x23: {  	v3 =	vld [tilespmem:s22+$0x4240]  }
0x24: {  	v2 =	vld [tilespmem:s22+$0x4250]  }
0x25: {  	v1 =	vld [tilespmem:s22+$0x4260]  }
0x26: {  	v0 =	vld [tilespmem:s22+$0x4270]  }
0x27: {  	v12 =	vld [tilespmem:s22+$0x200]  }
0x28: {  	v13 =	vld [tilespmem:s22+$0x210]  }
0x29: {  	v10 =	vld [tilespmem:s22+$0x220]  }
0x2a: {  	v9 =	vld [tilespmem:s22+$0x230]  }
0x2b: {  	v8 =	vld [tilespmem:s22+$0x240]  }
0x2c: {  	v6 =	vld [tilespmem:s22+$0x250];
	v12 =	vadd.f32 v7, v12  }
0x2d: {  	s23 =	simm.s32 $0x200;
	v11 =	vadd.f32 v11, v13;
	v7 =	vld [tilespmem:s22+$0x260]  }
.LBB2_2:
0x2e: {  	s24 =	sshra.s32 s23, $0x2;
	p0 =	sne.s32 s23, $0xFE00;
	[tilespmem:s22+$0x200] =	vst v12;
	v5 =	vadd.f32 v5, v10;
	v10 =	vld [tilespmem:s22+$0x270]  }
0x2f: {  	v12 =	vld [tilespmem:s24+$0x4200];
	[tilespmem:s22+$0x210] =	vst v11;
	v4 =	vadd.f32 v4, v9  }
0x30: {  	v11 =	vld [tilespmem:s24+$0x4210];
	[tilespmem:s22+$0x220] =	vst v5;
	v3 =	vadd.f32 v3, v8  }
0x31: {  	v5 =	vld [tilespmem:s24+$0x4220];
	[tilespmem:s22+$0x230] =	vst v4;
	v2 =	vadd.f32 v2, v6  }
0x32: {  	v4 =	vld [tilespmem:s24+$0x4230];
	[tilespmem:s22+$0x240] =	vst v3;
	v1 =	vadd.f32 v1, v7  }
0x33: {  	v3 =	vld [tilespmem:s24+$0x4240];
	[tilespmem:s22+$0x250] =	vst v2;
	v0 =	vadd.f32 v0, v10  }
0x34: {  	v2 =	vld [tilespmem:s24+$0x4250];
	[tilespmem:s22+$0x260] =	vst v1  }
0x35: {  	v1 =	vld [tilespmem:s24+$0x4260];
	[tilespmem:s22+$0x270] =	vst v0;
	s22 =	smov.u32 s24  }
0x36: {  	v0 =	vld [tilespmem:s22+$0x4270]  }
0x37: {  	v6 =	vld [tilespmem:s22+$0x200]  }
0x38: {  	v7 =	vld [tilespmem:s22+$0x210]  }
.Ltmp0:
0x39: {  	v10 =	vld [tilespmem:s22+$0x220];
	(pc) =	sbr.rel @p0 .LBB2_2-.Ltmp0, $4  }
0x3a: {  	v9 =	vld [tilespmem:s22+$0x230]  }
0x3b: {  	v8 =	vld [tilespmem:s22+$0x240]  }
0x3c: {  	v12 =	vadd.f32 v12, v6;
	v6 =	vld [tilespmem:s22+$0x250]  }
0x3d: {  	s23 =	sadd.s32 $0x200, s23;
	v11 =	vadd.f32 v11, v7;
	v7 =	vld [tilespmem:s22+$0x260]  }
0x3e: {  	[tilespmem:s22+$0x200] =	vst v12;
	v5 =	vadd.f32 v5, v10;
	v10 =	vld [tilespmem:s22+$0x270]  }
0x3f: {  	[tilespmem:s22+$0x210] =	vst v11;
	v4 =	vadd.f32 v4, v9  }
0x40: {  	[tilespmem:s22+$0x220] =	vst v5;
	v3 =	vadd.f32 v3, v8  }
0x41: {  	[tilespmem:s22+$0x230] =	vst v4;
	v2 =	vadd.f32 v2, v6  }
0x42: {  	[tilespmem:s22+$0x240] =	vst v3;
	v1 =	vadd.f32 v1, v7  }
0x43: {  	[tilespmem:s22+$0x250] =	vst v2;
	v0 =	vadd.f32 v0, v10  }
0x44: {  	[tilespmem:s22+$0x260] =	vst v1  }
0x45: {  	s31 =	simm.s32 $0x0;
	[tilespmem:s22+$0x270] =	vst v0  }
0x46: {  	[hbm4b:s6+s31] =	stream.linear.scatter [tilespmem:s16], [sflag:$0x2], $0x4000, $0x38;
	[tilespmem:$0x8200] =	vst v63  }
0x47: {  	_ =	swait.ge [sflag:s14], $0x4000  }
0x48: {  	[sflag:s14] =	ssyncset.done $0x0  }
0x49: {  	[sflag:s14] =	ssyncadd.s32 $0xFFFFC000  }
0x4a: {  	[tilespmem:s16], [sflag:$0x1] =	stream.indirect.gather [hbm4b:s1+s15], $0x80, s15, s15, $0xb8;
	[tilespmem:$0x8200] =	vst v63  }
0x4b: {  	_ =	swait.ge [sflag:s17], $0x4000  }
0x4c: {  	[sflag:s17] =	ssyncset.done $0x0  }
0x4d: {  	[sflag:s17] =	ssyncadd.s32 $0xFFFFC000  }
0x4e: {  	[tilespmem:s18], [sflag:$0x2] =	stream.linear.gather [hbm4b:s7+s31], $0x4000, $0x38;
	[tilespmem:$0x8200] =	vst v63  }
0x4f: {  	_ =	swait.ge [sflag:s14], $0x4000  }
0x50: {  	[sflag:s14] =	ssyncset.done $0x0  }
0x51: {  	s22 =	simm.s32 $0x0;
	[sflag:s14] =	ssyncadd.s32 $0xFFFFC000  }
0x52: {  	v7 =	vld [tilespmem:s22+$0x4200]  }
0x53: {  	v11 =	vld [tilespmem:s22+$0x4210]  }
0x54: {  	v5 =	vld [tilespmem:s22+$0x4220]  }
0x55: {  	v4 =	vld [tilespmem:s22+$0x4230]  }
0x56: {  	v3 =	vld [tilespmem:s22+$0x4240]  }
0x57: {  	v2 =	vld [tilespmem:s22+$0x4250]  }
0x58: {  	v1 =	vld [tilespmem:s22+$0x4260]  }
0x59: {  	v0 =	vld [tilespmem:s22+$0x4270]  }
0x5a: {  	v12 =	vld [tilespmem:s22+$0x200]  }
0x5b: {  	v13 =	vld [tilespmem:s22+$0x210]  }
0x5c: {  	v10 =	vld [tilespmem:s22+$0x220]  }
0x5d: {  	v9 =	vld [tilespmem:s22+$0x230]  }
0x5e: {  	v8 =	vld [tilespmem:s22+$0x240]  }
0x5f: {  	v6 =	vld [tilespmem:s22+$0x250];
	v12 =	vadd.f32 v7, v12  }
0x60: {  	s23 =	simm.s32 $0x200;
	v11 =	vadd.f32 v11, v13;
	v7 =	vld [tilespmem:s22+$0x260]  }
.LBB2_4:
0x61: {  	s24 =	sshra.s32 s23, $0x2;
	p0 =	sne.s32 s23, $0xFE00;
	[tilespmem:s22+$0x200] =	vst v12;
	v5 =	vadd.f32 v5, v10;
	v10 =	vld [tilespmem:s22+$0x270]  }
0x62: {  	v12 =	vld [tilespmem:s24+$0x4200];
	[tilespmem:s22+$0x210] =	vst v11;
	v4 =	vadd.f32 v4, v9  }
0x63: {  	v11 =	vld [tilespmem:s24+$0x4210];
	[tilespmem:s22+$0x220] =	vst v5;
	v3 =	vadd.f32 v3, v8  }
0x64: {  	v5 =	vld [tilespmem:s24+$0x4220];
	[tilespmem:s22+$0x230] =	vst v4;
	v2 =	vadd.f32 v2, v6  }
0x65: {  	v4 =	vld [tilespmem:s24+$0x4230];
	[tilespmem:s22+$0x240] =	vst v3;
	v1 =	vadd.f32 v1, v7  }
0x66: {  	v3 =	vld [tilespmem:s24+$0x4240];
	[tilespmem:s22+$0x250] =	vst v2;
	v0 =	vadd.f32 v0, v10  }
0x67: {  	v2 =	vld [tilespmem:s24+$0x4250];
	[tilespmem:s22+$0x260] =	vst v1  }
0x68: {  	v1 =	vld [tilespmem:s24+$0x4260];
	[tilespmem:s22+$0x270] =	vst v0;
	s22 =	smov.u32 s24  }
0x69: {  	v0 =	vld [tilespmem:s22+$0x4270]  }
0x6a: {  	v6 =	vld [tilespmem:s22+$0x200]  }
0x6b: {  	v7 =	vld [tilespmem:s22+$0x210]  }
.Ltmp1:
0x6c: {  	v10 =	vld [tilespmem:s22+$0x220];
	(pc) =	sbr.rel @p0 .LBB2_4-.Ltmp1, $4  }
0x6d: {  	v9 =	vld [tilespmem:s22+$0x230]  }
0x6e: {  	v8 =	vld [tilespmem:s22+$0x240]  }
0x6f: {  	v12 =	vadd.f32 v12, v6;
	v6 =	vld [tilespmem:s22+$0x250]  }
0x70: {  	s23 =	sadd.s32 $0x200, s23;
	v11 =	vadd.f32 v11, v7;
	v7 =	vld [tilespmem:s22+$0x260]  }
0x71: {  	[tilespmem:s22+$0x200] =	vst v12;
	v5 =	vadd.f32 v5, v10;
	v10 =	vld [tilespmem:s22+$0x270]  }
0x72: {  	[tilespmem:s22+$0x210] =	vst v11;
	v4 =	vadd.f32 v4, v9  }
0x73: {  	[tilespmem:s22+$0x220] =	vst v5;
	v3 =	vadd.f32 v3, v8  }
0x74: {  	[tilespmem:s22+$0x230] =	vst v4;
	v2 =	vadd.f32 v2, v6  }
0x75: {  	[tilespmem:s22+$0x240] =	vst v3;
	v1 =	vadd.f32 v1, v7  }
0x76: {  	[tilespmem:s22+$0x250] =	vst v2;
	v0 =	vadd.f32 v0, v10  }
0x77: {  	[tilespmem:s22+$0x260] =	vst v1  }
0x78: {  	s31 =	simm.s32 $0x0;
	[tilespmem:s22+$0x270] =	vst v0  }
0x79: {  	[hbm4b:s8+s31] =	stream.linear.scatter [tilespmem:s16], [sflag:$0x2], $0x4000, $0x38;
	[tilespmem:$0x8200] =	vst v63  }
0x7a: {  	_ =	swait.ge [sflag:s14], $0x4000  }
0x7b: {  	[sflag:s14] =	ssyncset.done $0x0  }
0x7c: {  	[sflag:s14] =	ssyncadd.s32 $0xFFFFC000  }
0x7d: {  	[tilespmem:s16], [sflag:$0x1] =	stream.indirect.gather [hbm4b:s1+s15], $0x80, s19, s15, $0xb8;
	[tilespmem:$0x8200] =	vst v63  }
0x7e: {  	_ =	swait.ge [sflag:s17], $0x4000  }
0x7f: {  	[sflag:s17] =	ssyncset.done $0x0  }
0x80: {  	[sflag:s17] =	ssyncadd.s32 $0xFFFFC000  }
0x81: {  	[tilespmem:s18], [sflag:$0x2] =	stream.linear.gather [hbm4b:s9+s31], $0x4000, $0x38;
	[tilespmem:$0x8200] =	vst v63  }
0x82: {  	_ =	swait.ge [sflag:s14], $0x4000  }
0x83: {  	[sflag:s14] =	ssyncset.done $0x0  }
0x84: {  	s22 =	simm.s32 $0x0;
	[sflag:s14] =	ssyncadd.s32 $0xFFFFC000  }
0x85: {  	v7 =	vld [tilespmem:s22+$0x4200]  }
0x86: {  	v11 =	vld [tilespmem:s22+$0x4210]  }
0x87: {  	v5 =	vld [tilespmem:s22+$0x4220]  }
0x88: {  	v4 =	vld [tilespmem:s22+$0x4230]  }
0x89: {  	v3 =	vld [tilespmem:s22+$0x4240]  }
0x8a: {  	v2 =	vld [tilespmem:s22+$0x4250]  }
0x8b: {  	v1 =	vld [tilespmem:s22+$0x4260]  }
0x8c: {  	v0 =	vld [tilespmem:s22+$0x4270]  }
0x8d: {  	v12 =	vld [tilespmem:s22+$0x200]  }
0x8e: {  	v13 =	vld [tilespmem:s22+$0x210]  }
0x8f: {  	v10 =	vld [tilespmem:s22+$0x220]  }
0x90: {  	v9 =	vld [tilespmem:s22+$0x230]  }
0x91: {  	v8 =	vld [tilespmem:s22+$0x240]  }
0x92: {  	v6 =	vld [tilespmem:s22+$0x250];
	v12 =	vadd.f32 v7, v12  }
0x93: {  	s23 =	simm.s32 $0x200;
	v11 =	vadd.f32 v11, v13;
	v7 =	vld [tilespmem:s22+$0x260]  }
.LBB2_6:
0x94: {  	s24 =	sshra.s32 s23, $0x2;
	p0 =	sne.s32 s23, $0xFE00;
	[tilespmem:s22+$0x200] =	vst v12;
	v5 =	vadd.f32 v5, v10;
	v10 =	vld [tilespmem:s22+$0x270]  }
0x95: {  	v12 =	vld [tilespmem:s24+$0x4200];
	[tilespmem:s22+$0x210] =	vst v11;
	v4 =	vadd.f32 v4, v9  }
0x96: {  	v11 =	vld [tilespmem:s24+$0x4210];
	[tilespmem:s22+$0x220] =	vst v5;
	v3 =	vadd.f32 v3, v8  }
0x97: {  	v5 =	vld [tilespmem:s24+$0x4220];
	[tilespmem:s22+$0x230] =	vst v4;
	v2 =	vadd.f32 v2, v6  }
0x98: {  	v4 =	vld [tilespmem:s24+$0x4230];
	[tilespmem:s22+$0x240] =	vst v3;
	v1 =	vadd.f32 v1, v7  }
0x99: {  	v3 =	vld [tilespmem:s24+$0x4240];
	[tilespmem:s22+$0x250] =	vst v2;
	v0 =	vadd.f32 v0, v10  }
0x9a: {  	v2 =	vld [tilespmem:s24+$0x4250];
	[tilespmem:s22+$0x260] =	vst v1  }
0x9b: {  	v1 =	vld [tilespmem:s24+$0x4260];
	[tilespmem:s22+$0x270] =	vst v0;
	s22 =	smov.u32 s24  }
0x9c: {  	v0 =	vld [tilespmem:s22+$0x4270]  }
0x9d: {  	v6 =	vld [tilespmem:s22+$0x200]  }
0x9e: {  	v7 =	vld [tilespmem:s22+$0x210]  }
.Ltmp2:
0x9f: {  	v10 =	vld [tilespmem:s22+$0x220];
	(pc) =	sbr.rel @p0 .LBB2_6-.Ltmp2, $4  }
0xa0: {  	v9 =	vld [tilespmem:s22+$0x230]  }
0xa1: {  	v8 =	vld [tilespmem:s22+$0x240]  }
0xa2: {  	v12 =	vadd.f32 v12, v6;
	v6 =	vld [tilespmem:s22+$0x250]  }
0xa3: {  	s23 =	sadd.s32 $0x200, s23;
	v11 =	vadd.f32 v11, v7;
	v7 =	vld [tilespmem:s22+$0x260]  }
0xa4: {  	[tilespmem:s22+$0x200] =	vst v12;
	v5 =	vadd.f32 v5, v10;
	v10 =	vld [tilespmem:s22+$0x270]  }
0xa5: {  	[tilespmem:s22+$0x210] =	vst v11;
	v4 =	vadd.f32 v4, v9  }
0xa6: {  	[tilespmem:s22+$0x220] =	vst v5;
	v3 =	vadd.f32 v3, v8  }
0xa7: {  	[tilespmem:s22+$0x230] =	vst v4;
	v2 =	vadd.f32 v2, v6  }
0xa8: {  	[tilespmem:s22+$0x240] =	vst v3;
	v1 =	vadd.f32 v1, v7  }
0xa9: {  	[tilespmem:s22+$0x250] =	vst v2;
	v0 =	vadd.f32 v0, v10  }
0xaa: {  	[tilespmem:s22+$0x260] =	vst v1  }
0xab: {  	s31 =	simm.s32 $0x0;
	[tilespmem:s22+$0x270] =	vst v0  }
0xac: {  	[hbm4b:s10+s31] =	stream.linear.scatter [tilespmem:s16], [sflag:$0x2], $0x4000, $0x38;
	[tilespmem:$0x8200] =	vst v63  }
0xad: {  	_ =	swait.ge [sflag:s14], $0x4000  }
0xae: {  	[sflag:s14] =	ssyncset.done $0x0  }
0xaf: {  	[sflag:s14] =	ssyncadd.s32 $0xFFFFC000  }
0xb0: {  	[tilespmem:s16], [sflag:$0x1] =	stream.indirect.gather [hbm4b:s1+s15], $0x80, s20, s15, $0xb8;
	[tilespmem:$0x8200] =	vst v63  }
0xb1: {  	_ =	swait.ge [sflag:s17], $0x4000  }
0xb2: {  	[sflag:s17] =	ssyncset.done $0x0  }
0xb3: {  	[sflag:s17] =	ssyncadd.s32 $0xFFFFC000  }
0xb4: {  	[tilespmem:s18], [sflag:$0x2] =	stream.linear.gather [hbm4b:s11+s31], $0x4000, $0x38;
	[tilespmem:$0x8200] =	vst v63  }
0xb5: {  	_ =	swait.ge [sflag:s14], $0x4000  }
0xb6: {  	[sflag:s14] =	ssyncset.done $0x0  }
0xb7: {  	s22 =	simm.s32 $0x0;
	[sflag:s14] =	ssyncadd.s32 $0xFFFFC000  }
0xb8: {  	v7 =	vld [tilespmem:s22+$0x4200]  }
0xb9: {  	v11 =	vld [tilespmem:s22+$0x4210]  }
0xba: {  	v5 =	vld [tilespmem:s22+$0x4220]  }
0xbb: {  	v4 =	vld [tilespmem:s22+$0x4230]  }
0xbc: {  	v3 =	vld [tilespmem:s22+$0x4240]  }
0xbd: {  	v2 =	vld [tilespmem:s22+$0x4250]  }
0xbe: {  	v1 =	vld [tilespmem:s22+$0x4260]  }
0xbf: {  	v0 =	vld [tilespmem:s22+$0x4270]  }
0xc0: {  	v12 =	vld [tilespmem:s22+$0x200]  }
0xc1: {  	v13 =	vld [tilespmem:s22+$0x210]  }
0xc2: {  	v10 =	vld [tilespmem:s22+$0x220]  }
0xc3: {  	v9 =	vld [tilespmem:s22+$0x230]  }
0xc4: {  	v8 =	vld [tilespmem:s22+$0x240]  }
0xc5: {  	v6 =	vld [tilespmem:s22+$0x250];
	v12 =	vadd.f32 v7, v12  }
0xc6: {  	s23 =	simm.s32 $0x200;
	v11 =	vadd.f32 v11, v13;
	v7 =	vld [tilespmem:s22+$0x260]  }
.LBB2_8:
0xc7: {  	s24 =	sshra.s32 s23, $0x2;
	p0 =	sne.s32 s23, $0xFE00;
	[tilespmem:s22+$0x200] =	vst v12;
	v5 =	vadd.f32 v5, v10;
	v10 =	vld [tilespmem:s22+$0x270]  }
0xc8: {  	v12 =	vld [tilespmem:s24+$0x4200];
	[tilespmem:s22+$0x210] =	vst v11;
	v4 =	vadd.f32 v4, v9  }
0xc9: {  	v11 =	vld [tilespmem:s24+$0x4210];
	[tilespmem:s22+$0x220] =	vst v5;
	v3 =	vadd.f32 v3, v8  }
0xca: {  	v5 =	vld [tilespmem:s24+$0x4220];
	[tilespmem:s22+$0x230] =	vst v4;
	v2 =	vadd.f32 v2, v6  }
0xcb: {  	v4 =	vld [tilespmem:s24+$0x4230];
	[tilespmem:s22+$0x240] =	vst v3;
	v1 =	vadd.f32 v1, v7  }
0xcc: {  	v3 =	vld [tilespmem:s24+$0x4240];
	[tilespmem:s22+$0x250] =	vst v2;
	v0 =	vadd.f32 v0, v10  }
0xcd: {  	v2 =	vld [tilespmem:s24+$0x4250];
	[tilespmem:s22+$0x260] =	vst v1  }
0xce: {  	v1 =	vld [tilespmem:s24+$0x4260];
	[tilespmem:s22+$0x270] =	vst v0;
	s22 =	smov.u32 s24  }
0xcf: {  	v0 =	vld [tilespmem:s22+$0x4270]  }
0xd0: {  	v6 =	vld [tilespmem:s22+$0x200]  }
0xd1: {  	v7 =	vld [tilespmem:s22+$0x210]  }
.Ltmp3:
0xd2: {  	v10 =	vld [tilespmem:s22+$0x220];
	(pc) =	sbr.rel @p0 .LBB2_8-.Ltmp3, $4  }
0xd3: {  	v9 =	vld [tilespmem:s22+$0x230]  }
0xd4: {  	v8 =	vld [tilespmem:s22+$0x240]  }
0xd5: {  	v12 =	vadd.f32 v12, v6;
	v6 =	vld [tilespmem:s22+$0x250]  }
0xd6: {  	s23 =	sadd.s32 $0x200, s23;
	v11 =	vadd.f32 v11, v7;
	v7 =	vld [tilespmem:s22+$0x260]  }
0xd7: {  	[tilespmem:s22+$0x200] =	vst v12;
	v5 =	vadd.f32 v5, v10;
	v63 =	vld [tilespmem:s22+$0x270]  }
0xd8: {  	[tilespmem:s22+$0x210] =	vst v11;
	v4 =	vadd.f32 v4, v9  }
0xd9: {  	[tilespmem:s22+$0x220] =	vst v5;
	v3 =	vadd.f32 v3, v8  }
0xda: {  	[tilespmem:s22+$0x230] =	vst v4;
	v2 =	vadd.f32 v2, v6  }
0xdb: {  	[tilespmem:s22+$0x240] =	vst v3;
	v1 =	vadd.f32 v1, v7  }
0xdc: {  	s21 =	sadd.s32 $0x1, s21;
	[tilespmem:s22+$0x250] =	vst v2;
	v0 =	vadd.f32 v0, v63  }
0xdd: {  	p0 =	sne.s32 s21, s13;
	[tilespmem:s22+$0x260] =	vst v1  }
.Ltmp4:
0xde: {  	[tilespmem:s22+$0x270] =	vst v0;
	(pc) =	sbr.rel @p0 .LBB2_1-.Ltmp4, $4  }
0xdf: {  	[hbm4b:s12+s2] =	stream.linear.scatter [tilespmem:s16], [sflag:$0x2], $0x4000, $0x38;
	[tilespmem:$0x8200] =	vst v63  }
0xe0: {  	_ =	swait.ge [sflag:s14], $0x4000  }
0xe1: {  	[sflag:s14] =	ssyncset.done $0x0  }
0xe2: {  	[sflag:s14] =	ssyncadd.s32 $0xFFFFC000  }
0xe3: {  	_ =	sfence.sel $0x180000  }
0xe4: {  	[bflag:$0x0] =	sbarrier.arrive $0xFFFF  }
0xe5: {  	p0 =	sne.s32 s3, $0x0;
	_ =	strace $0x90000047  }
0xe6: {  	s0 =	sadd.s32 @!p0 $0x100000, s0;
	[bflag:$0x2] =	sbarrier.arrive $0xFFFF  }
0xe7: {  	[sflag:s0] =	ssyncadd.tile.s32 @!p0 $0x1;
	_ =	shalt  }
.Lfunc_end2:
_tile_overlayer_lowered:
.L_overlay_start_2:
0xe8: {  	(tag) =	ssettag $0x2  }
0xe9: {  	s0 =	rddreg [dreg:$0x0];
	s2 =	stileid.u32  }
0xea: {  	s1 =	rddreg [dreg:$0x1];
	p0 =	sne.s32 s2, $0x0  }
0xeb: {  	s3 =	rddreg [dreg:$0x2];
	[bflag:$0x3] =	sbarrier.arrive $0xFFFF;
	s2 =	simm.s32 @!p0 $0x1C02  }
0xec: {  	[timem:s3], [sflag:s2] =	dma.local @!p0 [hbm:s0], s1  }
0xed: {  	s0 =	simm.s32 @!p0 $0x2  }
0xee: {  	_ =	swait.ge @!p0 [sflag:s0], s1  }
0xef: {  	s1 =	ssub.s32 @!p0 $0x0, s1;
	[sflag:s0] =	ssyncset.done @!p0 $0x0  }
0xf0: {  	[sflag:s0] =	ssyncadd.s32 @!p0 s1  }
0xf1: {  	[bflag:$0x3] =	sbarrier.arrive $0xFFFF  }
0xf2: {  	_ =	shalt  }

</sc_bundles>
